<compile_context>
chip_gen: v7x
topology: tpu7x:2x2x1
jax: 0.10.2.dev20260603
libtpu: 0.0.44.dev20260713+nightly
codegen_flags: <defaults>
</compile_context>

<pallas_src>
import functools

import jax
import jax.numpy as jnp
from jax import lax
from jax.experimental import pallas as pl
from jax.experimental.pallas import tpu as pltpu
from jax.experimental.pallas import tpu_sc as plsc

_MAXLEN = 8192
_DIM = 1024
_NC = 2
_NS = 16
_NW = _NC * _NS
_ROWS_PER_W = _MAXLEN // _NW
_CHUNK = 56
_LANES = 16
_CHUNKS = [(i * _CHUNK, _CHUNK) for i in range(4)] + [(4 * _CHUNK, 32)]
_NCHUNK = len(_CHUNKS)
_IDXROW = 64

_mesh = plsc.VectorSubcoreMesh(core_axis_name="c", subcore_axis_name="s")


@functools.partial(
    pl.kernel,
    mesh=_mesh,
    out_type=jax.ShapeDtypeStruct((_MAXLEN, _DIM), jnp.float32),
    scratch_types=[
        pltpu.VMEM((_LANES,), jnp.int32),
        pltpu.VMEM((_NCHUNK, _IDXROW), jnp.int32),
        pltpu.VMEM((2, _CHUNK, _DIM), jnp.float32),
        pltpu.SemaphoreType.DMA,
        pltpu.SemaphoreType.DMA,
    ],
)
def _pe_gather(lim_hbm, table_hbm, out_hbm, lim_v, idx_v, rows_v, gsem, ssem):
    wid = lax.axis_index("s") * _NC + lax.axis_index("c")
    base = wid * _ROWS_PER_W

    pltpu.sync_copy(lim_hbm, lim_v)
    lim = lim_v[...]

    def build_idx(c):
        off, size = _CHUNKS[c]
        for v in range((size + _LANES - 1) // _LANES):
            row0 = base + off + v * _LANES
            rows = row0 + lax.iota(jnp.int32, _LANES)
            idx_v[c, pl.ds(v * _LANES, _LANES)] = jnp.minimum(rows, lim)

    gathers = []
    stores = []

    def start_gather(c):
        off, size = _CHUNKS[c]
        h = pltpu.make_async_copy(
            table_hbm.at[idx_v.at[c, pl.ds(0, size)]],
            rows_v.at[c % 2, pl.ds(0, size)], gsem)
        h.start()
        gathers.append(h)

    def start_store(c):
        off, size = _CHUNKS[c]
        h = pltpu.make_async_copy(
            rows_v.at[c % 2, pl.ds(0, size)],
            out_hbm.at[pl.ds(base + off, size)], ssem)
        h.start()
        stores.append(h)

    build_idx(0)
    start_gather(0)
    for c in range(_NCHUNK):
        if c + 1 < _NCHUNK:
            if c >= 1:
                stores[c - 1].wait()
            build_idx(c + 1)
            start_gather(c + 1)
        gathers[c].wait()
        start_store(c)
    stores[_NCHUNK - 2].wait()
    stores[_NCHUNK - 1].wait()


def kernel(length, emb):
    lim = jnp.full((_LANES,), length - 1, dtype=jnp.int32)
    out = _pe_gather(lim, emb)
    return out[None, :, :]

# --- scband reference (transcript-rebuilt; emitter-appended) ---
"""Pipeline reference for scband-learnable-pe-10256381903419 (READ-ONLY COPY).

The authoritative reference and input builder live on the scoring server;
editing this copy changes nothing except your own understanding.
"""

import jax, jax.numpy as jnp
import numpy as np

MAX_LEN = 8192
DIM = 1024

def setup_inputs(seed: int = 0) -> dict:
    key = jax.random.key(seed)
    emb = jax.random.normal(key, (MAX_LEN, DIM), dtype=jnp.float32)
    return {"length": MAX_LEN, "emb": emb}

def reference(length, emb):
    L = emb.shape[0]
    if L > emb.shape[0]:
        raise ValueError(f"length={L} exceeds max_len={emb.shape[0]}")
    pos = jnp.minimum(jnp.arange(L, dtype=jnp.int32), length - 1)
    out = jnp.take(emb, pos, axis=0)
    return out[None, :, :]

if __name__ == "__main__":
    import jax
    _d = setup_inputs()
    print(jax.jit(kernel)(*tuple(_d.values())))

</pallas_src>

<mosaic_0001>
#map = affine_map<(d0, d1) -> (0)>
#map1 = affine_map<(d0, d1) -> (0, 0)>
module attributes {stable_mosaic.version = 14 : i64} {
  func.func @_pe_gather(%arg0: i32, %arg1: i32, %arg2: memref<16xi32, #tpu.memory_space<hbm>>, %arg3: memref<8192x1024xf32, #tpu.memory_space<hbm>>, %arg4: memref<8192x1024xf32, #tpu.memory_space<hbm>>, %arg5: memref<16xi32, #tpu.memory_space<vmem>>, %arg6: memref<5x64xi32, #tpu.memory_space<vmem>>, %arg7: memref<2x56x1024xf32, #tpu.memory_space<vmem>>, %arg8: memref<!tpu.dma_semaphore, #tpu.memory_space<semaphore_mem>>, %arg9: memref<!tpu.dma_semaphore, #tpu.memory_space<semaphore_mem>>) attributes {dimension_semantics = [#tpu.dimension_semantics<core_parallel>, #tpu.dimension_semantics<subcore_parallel>], iteration_bounds = array<i64: 2, 16>, scalar_prefetch = 0 : i64, scratch_operands = 5 : i64, tpu.core_type = #tpu.core_type<sc_vector_subcore>, window_params = [{transform_indices = #map}, {transform_indices = #map1}, {transform_indices = #map1}]} {
    %mul3A = arith.constant 2 : i32
    %mul3A_0 = arith.muli %arg1, %mul3A : i32
    %add3A = arith.addi %mul3A_0, %arg0 : i32
    %mul3A_1 = arith.constant 256 : i32
    %mul3A_2 = arith.muli %add3A, %mul3A_1 : i32
    "tpu.region"() ({
      %run_scoped3A = tpu.sem_alloc : memref<!tpu.dma_semaphore, #tpu.memory_space<semaphore_mem>>
      tpu.enqueue_dma source(%arg2 : memref<16xi32, #tpu.memory_space<hbm>>) target(%arg5 : memref<16xi32, #tpu.memory_space<vmem>>) target_semaphore(%run_scoped3A : memref<!tpu.dma_semaphore, #tpu.memory_space<semaphore_mem>>)
      tpu.wait_dma2 semaphore(%run_scoped3A : memref<!tpu.dma_semaphore, #tpu.memory_space<semaphore_mem>>) src(%arg2 : memref<16xi32, #tpu.memory_space<hbm>>) dst(%arg5 : memref<16xi32, #tpu.memory_space<vmem>>)
      tpu.yield
    }) : () -> ()
    %get3A = arith.constant 0 : index
    %get3A_3 = tpu.vector_load %arg5[%get3A] {strides = array<i32>} : memref<16xi32, #tpu.memory_space<vmem>>, vector<16xi32>,
    %get3A_4 = vector.shape_cast %get3A_3 : vector<16xi32> to vector<16xi32>
    %add3A_5 = arith.constant 0 : i32
    %add3A_6 = arith.addi %mul3A_2, %add3A_5 : i32
    %add3A_7 = arith.constant 0 : i32
    %add3A_8 = arith.addi %add3A_6, %add3A_7 : i32
    %iota3A = tpu.iota {dimensions = array<i32: 0>} : vector<16xi32>
    %add3A_9 = vector.broadcast %add3A_8 : i32 to vector<16xi32>
    %add3A_10 = arith.addi %add3A_9, %iota3A : vector<16xi32>
    %min3A = arith.minsi %add3A_10, %get3A_4 : vector<16xi32>
    %swap3A = arith.constant 0 : i32
    %swap3A_11 = arith.index_cast %swap3A : i32 to index
    %swap3A_12 = arith.constant 0 : index
    %swap3A_13 = tpu.vector_load %arg6[%swap3A_11, %swap3A_12] {strides = array<i32>} : memref<5x64xi32, #tpu.memory_space<vmem>>, vector<1x16xi32>,
    %swap3A_14 = vector.shape_cast %swap3A_13 : vector<1x16xi32> to vector<16xi32>
    %swap3A_15 = vector.shape_cast %min3A : vector<16xi32> to vector<1x16xi32>
    tpu.vector_store %arg6[%swap3A_11, %swap3A_12], %swap3A_15 {strides = array<i32>} : memref<5x64xi32, #tpu.memory_space<vmem>>, vector<1x16xi32>,
    %add3A_16 = arith.constant 0 : i32
    %add3A_17 = arith.addi %mul3A_2, %add3A_16 : i32
    %add3A_18 = arith.constant 16 : i32
    %add3A_19 = arith.addi %add3A_17, %add3A_18 : i32
    %iota3A_20 = tpu.iota {dimensions = array<i32: 0>} : vector<16xi32>
    %add3A_21 = vector.broadcast %add3A_19 : i32 to vector<16xi32>
    %add3A_22 = arith.addi %add3A_21, %iota3A_20 : vector<16xi32>
    %min3A_23 = arith.minsi %add3A_22, %get3A_4 : vector<16xi32>
    %swap3A_24 = arith.constant 0 : i32
    %swap3A_25 = arith.index_cast %swap3A_24 : i32 to index
    %swap3A_26 = arith.constant 16 : index
    %swap3A_27 = tpu.vector_load %arg6[%swap3A_25, %swap3A_26] {strides = array<i32>} : memref<5x64xi32, #tpu.memory_space<vmem>>, vector<1x16xi32>,
    %swap3A_28 = vector.shape_cast %swap3A_27 : vector<1x16xi32> to vector<16xi32>
    %swap3A_29 = vector.shape_cast %min3A_23 : vector<16xi32> to vector<1x16xi32>
    tpu.vector_store %arg6[%swap3A_25, %swap3A_26], %swap3A_29 {strides = array<i32>} : memref<5x64xi32, #tpu.memory_space<vmem>>, vector<1x16xi32>,
    %add3A_30 = arith.constant 0 : i32
    %add3A_31 = arith.addi %mul3A_2, %add3A_30 : i32
    %add3A_32 = arith.constant 32 : i32
    %add3A_33 = arith.addi %add3A_31, %add3A_32 : i32
    %iota3A_34 = tpu.iota {dimensions = array<i32: 0>} : vector<16xi32>
    %add3A_35 = vector.broadcast %add3A_33 : i32 to vector<16xi32>
    %add3A_36 = arith.addi %add3A_35, %iota3A_34 : vector<16xi32>
    %min3A_37 = arith.minsi %add3A_36, %get3A_4 : vector<16xi32>
    %swap3A_38 = arith.constant 0 : i32
    %swap3A_39 = arith.index_cast %swap3A_38 : i32 to index
    %swap3A_40 = arith.constant 32 : index
    %swap3A_41 = tpu.vector_load %arg6[%swap3A_39, %swap3A_40] {strides = array<i32>} : memref<5x64xi32, #tpu.memory_space<vmem>>, vector<1x16xi32>,
    %swap3A_42 = vector.shape_cast %swap3A_41 : vector<1x16xi32> to vector<16xi32>
    %swap3A_43 = vector.shape_cast %min3A_37 : vector<16xi32> to vector<1x16xi32>
    tpu.vector_store %arg6[%swap3A_39, %swap3A_40], %swap3A_43 {strides = array<i32>} : memref<5x64xi32, #tpu.memory_space<vmem>>, vector<1x16xi32>,
    %add3A_44 = arith.constant 0 : i32
    %add3A_45 = arith.addi %mul3A_2, %add3A_44 : i32
    %add3A_46 = arith.constant 48 : i32
    %add3A_47 = arith.addi %add3A_45, %add3A_46 : i32
    %iota3A_48 = tpu.iota {dimensions = array<i32: 0>} : vector<16xi32>
    %add3A_49 = vector.broadcast %add3A_47 : i32 to vector<16xi32>
    %add3A_50 = arith.addi %add3A_49, %iota3A_48 : vector<16xi32>
    %min3A_51 = arith.minsi %add3A_50, %get3A_4 : vector<16xi32>
    %swap3A_52 = arith.constant 0 : i32
    %swap3A_53 = arith.index_cast %swap3A_52 : i32 to index
    %swap3A_54 = arith.constant 48 : index
    %swap3A_55 = tpu.vector_load %arg6[%swap3A_53, %swap3A_54] {strides = array<i32>} : memref<5x64xi32, #tpu.memory_space<vmem>>, vector<1x16xi32>,
    %swap3A_56 = vector.shape_cast %swap3A_55 : vector<1x16xi32> to vector<16xi32>
    %swap3A_57 = vector.shape_cast %min3A_51 : vector<16xi32> to vector<1x16xi32>
    tpu.vector_store %arg6[%swap3A_53, %swap3A_54], %swap3A_57 {strides = array<i32>} : memref<5x64xi32, #tpu.memory_space<vmem>>, vector<1x16xi32>,
    %dma_start3A = arith.constant 0 : i32
    %dma_start3A_58 = arith.constant 0 : i32
    %dma_start3A_59 = arith.constant 0 : i32
    %dma_start3A_60 = arith.constant 0 : i32
    %dma_start3A_61 = tpu.memref_slice %arg7[%dma_start3A_58, %dma_start3A_59, %dma_start3A_60] : memref<2x56x1024xf32, #tpu.memory_space<vmem>> -> memref<1x56x1024xf32, #tpu.memory_space<vmem>>
    %dma_start3A_62 = tpu.memref_squeeze %dma_start3A_61 : memref<1x56x1024xf32, #tpu.memory_space<vmem>> -> memref<56x1024xf32, #tpu.memory_space<vmem>>
    %dma_start3A_63 = arith.constant 0 : i32
    %dma_start3A_64 = tpu.memref_slice %arg6[%dma_start3A, %dma_start3A_63] : memref<5x64xi32, #tpu.memory_space<vmem>> -> memref<1x56xi32, #tpu.memory_space<vmem>>
    %dma_start3A_65 = tpu.memref_squeeze %dma_start3A_64 : memref<1x56xi32, #tpu.memory_space<vmem>> -> memref<56xi32, #tpu.memory_space<vmem>>
    %dma_start3A_66 = arith.constant 0 : i32
    %dma_start3A_67 = arith.constant 0 : i32
    %dma_start3A_68 = tpu.memref_slice %arg3[%dma_start3A_66, %dma_start3A_67] : memref<8192x1024xf32, #tpu.memory_space<hbm>> -> memref<8192x1024xf32, #tpu.memory_space<hbm>>
    tpu.enqueue_indirect_dma source(%dma_start3A_68 : memref<8192x1024xf32, #tpu.memory_space<hbm>>) target(%dma_start3A_62 : memref<56x1024xf32, #tpu.memory_space<vmem>>) offsets(%dma_start3A_65 : memref<56xi32, #tpu.memory_space<vmem>>) semaphore(%arg8 : memref<!tpu.dma_semaphore, #tpu.memory_space<semaphore_mem>>)
    %add3A_69 = arith.constant 56 : i32
    %add3A_70 = arith.addi %mul3A_2, %add3A_69 : i32
    %add3A_71 = arith.constant 0 : i32
    %add3A_72 = arith.addi %add3A_70, %add3A_71 : i32
    %iota3A_73 = tpu.iota {dimensions = array<i32: 0>} : vector<16xi32>
    %add3A_74 = vector.broadcast %add3A_72 : i32 to vector<16xi32>
    %add3A_75 = arith.addi %add3A_74, %iota3A_73 : vector<16xi32>
    %min3A_76 = arith.minsi %add3A_75, %get3A_4 : vector<16xi32>
    %swap3A_77 = arith.constant 1 : i32
    %swap3A_78 = arith.index_cast %swap3A_77 : i32 to index
    %swap3A_79 = arith.constant 0 : index
    %swap3A_80 = tpu.vector_load %arg6[%swap3A_78, %swap3A_79] {strides = array<i32>} : memref<5x64xi32, #tpu.memory_space<vmem>>, vector<1x16xi32>,
    %swap3A_81 = vector.shape_cast %swap3A_80 : vector<1x16xi32> to vector<16xi32>
    %swap3A_82 = vector.shape_cast %min3A_76 : vector<16xi32> to vector<1x16xi32>
    tpu.vector_store %arg6[%swap3A_78, %swap3A_79], %swap3A_82 {strides = array<i32>} : memref<5x64xi32, #tpu.memory_space<vmem>>, vector<1x16xi32>,
    %add3A_83 = arith.constant 56 : i32
    %add3A_84 = arith.addi %mul3A_2, %add3A_83 : i32
    %add3A_85 = arith.constant 16 : i32
    %add3A_86 = arith.addi %add3A_84, %add3A_85 : i32
    %iota3A_87 = tpu.iota {dimensions = array<i32: 0>} : vector<16xi32>
    %add3A_88 = vector.broadcast %add3A_86 : i32 to vector<16xi32>
    %add3A_89 = arith.addi %add3A_88, %iota3A_87 : vector<16xi32>
    %min3A_90 = arith.minsi %add3A_89, %get3A_4 : vector<16xi32>
    %swap3A_91 = arith.constant 1 : i32
    %swap3A_92 = arith.index_cast %swap3A_91 : i32 to index
    %swap3A_93 = arith.constant 16 : index
    %swap3A_94 = tpu.vector_load %arg6[%swap3A_92, %swap3A_93] {strides = array<i32>} : memref<5x64xi32, #tpu.memory_space<vmem>>, vector<1x16xi32>,
    %swap3A_95 = vector.shape_cast %swap3A_94 : vector<1x16xi32> to vector<16xi32>
    %swap3A_96 = vector.shape_cast %min3A_90 : vector<16xi32> to vector<1x16xi32>
    tpu.vector_store %arg6[%swap3A_92, %swap3A_93], %swap3A_96 {strides = array<i32>} : memref<5x64xi32, #tpu.memory_space<vmem>>, vector<1x16xi32>,
    %add3A_97 = arith.constant 56 : i32
    %add3A_98 = arith.addi %mul3A_2, %add3A_97 : i32
    %add3A_99 = arith.constant 32 : i32
    %add3A_100 = arith.addi %add3A_98, %add3A_99 : i32
    %iota3A_101 = tpu.iota {dimensions = array<i32: 0>} : vector<16xi32>
    %add3A_102 = vector.broadcast %add3A_100 : i32 to vector<16xi32>
    %add3A_103 = arith.addi %add3A_102, %iota3A_101 : vector<16xi32>
    %min3A_104 = arith.minsi %add3A_103, %get3A_4 : vector<16xi32>
    %swap3A_105 = arith.constant 1 : i32
    %swap3A_106 = arith.index_cast %swap3A_105 : i32 to index
    %swap3A_107 = arith.constant 32 : index
    %swap3A_108 = tpu.vector_load %arg6[%swap3A_106, %swap3A_107] {strides = array<i32>} : memref<5x64xi32, #tpu.memory_space<vmem>>, vector<1x16xi32>,
    %swap3A_109 = vector.shape_cast %swap3A_108 : vector<1x16xi32> to vector<16xi32>
    %swap3A_110 = vector.shape_cast %min3A_104 : vector<16xi32> to vector<1x16xi32>
    tpu.vector_store %arg6[%swap3A_106, %swap3A_107], %swap3A_110 {strides = array<i32>} : memref<5x64xi32, #tpu.memory_space<vmem>>, vector<1x16xi32>,
    %add3A_111 = arith.constant 56 : i32
    %add3A_112 = arith.addi %mul3A_2, %add3A_111 : i32
    %add3A_113 = arith.constant 48 : i32
    %add3A_114 = arith.addi %add3A_112, %add3A_113 : i32
    %iota3A_115 = tpu.iota {dimensions = array<i32: 0>} : vector<16xi32>
    %add3A_116 = vector.broadcast %add3A_114 : i32 to vector<16xi32>
    %add3A_117 = arith.addi %add3A_116, %iota3A_115 : vector<16xi32>
    %min3A_118 = arith.minsi %add3A_117, %get3A_4 : vector<16xi32>
    %swap3A_119 = arith.constant 1 : i32
    %swap3A_120 = arith.index_cast %swap3A_119 : i32 to index
    %swap3A_121 = arith.constant 48 : index
    %swap3A_122 = tpu.vector_load %arg6[%swap3A_120, %swap3A_121] {strides = array<i32>} : memref<5x64xi32, #tpu.memory_space<vmem>>, vector<1x16xi32>,
    %swap3A_123 = vector.shape_cast %swap3A_122 : vector<1x16xi32> to vector<16xi32>
    %swap3A_124 = vector.shape_cast %min3A_118 : vector<16xi32> to vector<1x16xi32>
    tpu.vector_store %arg6[%swap3A_120, %swap3A_121], %swap3A_124 {strides = array<i32>} : memref<5x64xi32, #tpu.memory_space<vmem>>, vector<1x16xi32>,
    %dma_start3A_125 = arith.constant 1 : i32
    %dma_start3A_126 = arith.constant 1 : i32
    %dma_start3A_127 = arith.constant 0 : i32
    %dma_start3A_128 = arith.constant 0 : i32
    %dma_start3A_129 = tpu.memref_slice %arg7[%dma_start3A_126, %dma_start3A_127, %dma_start3A_128] : memref<2x56x1024xf32, #tpu.memory_space<vmem>> -> memref<1x56x1024xf32, #tpu.memory_space<vmem>>
    %dma_start3A_130 = tpu.memref_squeeze %dma_start3A_129 : memref<1x56x1024xf32, #tpu.memory_space<vmem>> -> memref<56x1024xf32, #tpu.memory_space<vmem>>
    %dma_start3A_131 = arith.constant 0 : i32
    %dma_start3A_132 = tpu.memref_slice %arg6[%dma_start3A_125, %dma_start3A_131] : memref<5x64xi32, #tpu.memory_space<vmem>> -> memref<1x56xi32, #tpu.memory_space<vmem>>
    %dma_start3A_133 = tpu.memref_squeeze %dma_start3A_132 : memref<1x56xi32, #tpu.memory_space<vmem>> -> memref<56xi32, #tpu.memory_space<vmem>>
    %dma_start3A_134 = arith.constant 0 : i32
    %dma_start3A_135 = arith.constant 0 : i32
    %dma_start3A_136 = tpu.memref_slice %arg3[%dma_start3A_134, %dma_start3A_135] : memref<8192x1024xf32, #tpu.memory_space<hbm>> -> memref<8192x1024xf32, #tpu.memory_space<hbm>>
    tpu.enqueue_indirect_dma source(%dma_start3A_136 : memref<8192x1024xf32, #tpu.memory_space<hbm>>) target(%dma_start3A_130 : memref<56x1024xf32, #tpu.memory_space<vmem>>) offsets(%dma_start3A_133 : memref<56xi32, #tpu.memory_space<vmem>>) semaphore(%arg8 : memref<!tpu.dma_semaphore, #tpu.memory_space<semaphore_mem>>)
    %dma_wait3A = arith.constant 0 : i32
    %dma_wait3A_137 = arith.constant 0 : i32
    %dma_wait3A_138 = arith.constant 0 : i32
    %dma_wait3A_139 = arith.constant 0 : i32
    %dma_wait3A_140 = tpu.memref_slice %arg7[%dma_wait3A_137, %dma_wait3A_138, %dma_wait3A_139] : memref<2x56x1024xf32, #tpu.memory_space<vmem>> -> memref<1x56x1024xf32, #tpu.memory_space<vmem>>
    %dma_wait3A_141 = tpu.memref_squeeze %dma_wait3A_140 : memref<1x56x1024xf32, #tpu.memory_space<vmem>> -> memref<56x1024xf32, #tpu.memory_space<vmem>>
    %dma_wait3A_142 = arith.constant 0 : i32
    %dma_wait3A_143 = tpu.memref_slice %arg6[%dma_wait3A, %dma_wait3A_142] : memref<5x64xi32, #tpu.memory_space<vmem>> -> memref<1x56xi32, #tpu.memory_space<vmem>>
    %dma_wait3A_144 = tpu.memref_squeeze %dma_wait3A_143 : memref<1x56xi32, #tpu.memory_space<vmem>> -> memref<56xi32, #tpu.memory_space<vmem>>
    %dma_wait3A_145 = arith.constant 0 : i32
    %dma_wait3A_146 = arith.constant 0 : i32
    %dma_wait3A_147 = tpu.memref_slice %arg3[%dma_wait3A_145, %dma_wait3A_146] : memref<8192x1024xf32, #tpu.memory_space<hbm>> -> memref<8192x1024xf32, #tpu.memory_space<hbm>>
    tpu.wait_indirect_dma semaphore(%arg8 : memref<!tpu.dma_semaphore, #tpu.memory_space<semaphore_mem>>) src(%dma_wait3A_147 : memref<8192x1024xf32, #tpu.memory_space<hbm>>) dst(%dma_wait3A_141 : memref<56x1024xf32, #tpu.memory_space<vmem>>)
    %add3A_148 = arith.constant 0 : i32
    %add3A_149 = arith.addi %mul3A_2, %add3A_148 : i32
    %dma_start3A_150 = arith.constant 0 : i32
    %dma_start3A_151 = arith.constant 0 : i32
    %dma_start3A_152 = arith.constant 0 : i32
    %dma_start3A_153 = tpu.memref_slice %arg7[%dma_start3A_150, %dma_start3A_151, %dma_start3A_152] : memref<2x56x1024xf32, #tpu.memory_space<vmem>> -> memref<1x56x1024xf32, #tpu.memory_space<vmem>>
    %dma_start3A_154 = tpu.memref_squeeze %dma_start3A_153 : memref<1x56x1024xf32, #tpu.memory_space<vmem>> -> memref<56x1024xf32, #tpu.memory_space<vmem>>
    %dma_start3A_155 = arith.constant 0 : i32
    %dma_start3A_156 = tpu.memref_slice %arg4[%add3A_149, %dma_start3A_155] : memref<8192x1024xf32, #tpu.memory_space<hbm>> -> memref<56x1024xf32, #tpu.memory_space<hbm>>
    %dma_start3A_157 = arith.constant 0 : i32
    %dma_start3A_158 = tpu.memref_slice %arg4[%add3A_149, %dma_start3A_157] : memref<8192x1024xf32, #tpu.memory_space<hbm>> -> memref<56x1024xf32, #tpu.memory_space<hbm>>
    %dma_start3A_159 = arith.constant 0 : i32
    %dma_start3A_160 = arith.constant 0 : i32
    %dma_start3A_161 = tpu.memref_slice %arg7[%dma_start3A_150, %dma_start3A_159, %dma_start3A_160] : memref<2x56x1024xf32, #tpu.memory_space<vmem>> -> memref<1x56x1024xf32, #tpu.memory_space<vmem>>
    %dma_start3A_162 = tpu.memref_squeeze %dma_start3A_161 : memref<1x56x1024xf32, #tpu.memory_space<vmem>> -> memref<56x1024xf32, #tpu.memory_space<vmem>>
    tpu.enqueue_dma source(%dma_start3A_162 : memref<56x1024xf32, #tpu.memory_space<vmem>>) target(%dma_start3A_158 : memref<56x1024xf32, #tpu.memory_space<hbm>>) target_semaphore(%arg9 : memref<!tpu.dma_semaphore, #tpu.memory_space<semaphore_mem>>)
    %dma_wait3A_163 = arith.constant 0 : i32
    %dma_wait3A_164 = arith.constant 0 : i32
    %dma_wait3A_165 = arith.constant 0 : i32
    %dma_wait3A_166 = tpu.memref_slice %arg7[%dma_wait3A_163, %dma_wait3A_164, %dma_wait3A_165] : memref<2x56x1024xf32, #tpu.memory_space<vmem>> -> memref<1x56x1024xf32, #tpu.memory_space<vmem>>
    %dma_wait3A_167 = tpu.memref_squeeze %dma_wait3A_166 : memref<1x56x1024xf32, #tpu.memory_space<vmem>> -> memref<56x1024xf32, #tpu.memory_space<vmem>>
    %dma_wait3A_168 = arith.constant 0 : i32
    %dma_wait3A_169 = tpu.memref_slice %arg4[%add3A_149, %dma_wait3A_168] : memref<8192x1024xf32, #tpu.memory_space<hbm>> -> memref<56x1024xf32, #tpu.memory_space<hbm>>
    %dma_wait3A_170 = arith.constant 0 : i32
    %dma_wait3A_171 = tpu.memref_slice %arg4[%add3A_149, %dma_wait3A_170] : memref<8192x1024xf32, #tpu.memory_space<hbm>> -> memref<56x1024xf32, #tpu.memory_space<hbm>>
    %dma_wait3A_172 = arith.constant 0 : i32
    %dma_wait3A_173 = arith.constant 0 : i32
    %dma_wait3A_174 = tpu.memref_slice %arg7[%dma_wait3A_163, %dma_wait3A_172, %dma_wait3A_173] : memref<2x56x1024xf32, #tpu.memory_space<vmem>> -> memref<1x56x1024xf32, #tpu.memory_space<vmem>>
    %dma_wait3A_175 = tpu.memref_squeeze %dma_wait3A_174 : memref<1x56x1024xf32, #tpu.memory_space<vmem>> -> memref<56x1024xf32, #tpu.memory_space<vmem>>
    tpu.wait_dma2 semaphore(%arg9 : memref<!tpu.dma_semaphore, #tpu.memory_space<semaphore_mem>>) src(%dma_wait3A_175 : memref<56x1024xf32, #tpu.memory_space<vmem>>) dst(%dma_wait3A_171 : memref<56x1024xf32, #tpu.memory_space<hbm>>)
    %add3A_176 = arith.constant 112 : i32
    %add3A_177 = arith.addi %mul3A_2, %add3A_176 : i32
    %add3A_178 = arith.constant 0 : i32
    %add3A_179 = arith.addi %add3A_177, %add3A_178 : i32
    %iota3A_180 = tpu.iota {dimensions = array<i32: 0>} : vector<16xi32>
    %add3A_181 = vector.broadcast %add3A_179 : i32 to vector<16xi32>
    %add3A_182 = arith.addi %add3A_181, %iota3A_180 : vector<16xi32>
    %min3A_183 = arith.minsi %add3A_182, %get3A_4 : vector<16xi32>
    %swap3A_184 = arith.constant 2 : i32
    %swap3A_185 = arith.index_cast %swap3A_184 : i32 to index
    %swap3A_186 = arith.constant 0 : index
    %swap3A_187 = tpu.vector_load %arg6[%swap3A_185, %swap3A_186] {strides = array<i32>} : memref<5x64xi32, #tpu.memory_space<vmem>>, vector<1x16xi32>,
    %swap3A_188 = vector.shape_cast %swap3A_187 : vector<1x16xi32> to vector<16xi32>
    %swap3A_189 = vector.shape_cast %min3A_183 : vector<16xi32> to vector<1x16xi32>
    tpu.vector_store %arg6[%swap3A_185, %swap3A_186], %swap3A_189 {strides = array<i32>} : memref<5x64xi32, #tpu.memory_space<vmem>>, vector<1x16xi32>,
    %add3A_190 = arith.constant 112 : i32
    %add3A_191 = arith.addi %mul3A_2, %add3A_190 : i32
    %add3A_192 = arith.constant 16 : i32
    %add3A_193 = arith.addi %add3A_191, %add3A_192 : i32
    %iota3A_194 = tpu.iota {dimensions = array<i32: 0>} : vector<16xi32>
    %add3A_195 = vector.broadcast %add3A_193 : i32 to vector<16xi32>
    %add3A_196 = arith.addi %add3A_195, %iota3A_194 : vector<16xi32>
    %min3A_197 = arith.minsi %add3A_196, %get3A_4 : vector<16xi32>
    %swap3A_198 = arith.constant 2 : i32
    %swap3A_199 = arith.index_cast %swap3A_198 : i32 to index
    %swap3A_200 = arith.constant 16 : index
    %swap3A_201 = tpu.vector_load %arg6[%swap3A_199, %swap3A_200] {strides = array<i32>} : memref<5x64xi32, #tpu.memory_space<vmem>>, vector<1x16xi32>,
    %swap3A_202 = vector.shape_cast %swap3A_201 : vector<1x16xi32> to vector<16xi32>
    %swap3A_203 = vector.shape_cast %min3A_197 : vector<16xi32> to vector<1x16xi32>
    tpu.vector_store %arg6[%swap3A_199, %swap3A_200], %swap3A_203 {strides = array<i32>} : memref<5x64xi32, #tpu.memory_space<vmem>>, vector<1x16xi32>,
    %add3A_204 = arith.constant 112 : i32
    %add3A_205 = arith.addi %mul3A_2, %add3A_204 : i32
    %add3A_206 = arith.constant 32 : i32
    %add3A_207 = arith.addi %add3A_205, %add3A_206 : i32
    %iota3A_208 = tpu.iota {dimensions = array<i32: 0>} : vector<16xi32>
    %add3A_209 = vector.broadcast %add3A_207 : i32 to vector<16xi32>
    %add3A_210 = arith.addi %add3A_209, %iota3A_208 : vector<16xi32>
    %min3A_211 = arith.minsi %add3A_210, %get3A_4 : vector<16xi32>
    %swap3A_212 = arith.constant 2 : i32
    %swap3A_213 = arith.index_cast %swap3A_212 : i32 to index
    %swap3A_214 = arith.constant 32 : index
    %swap3A_215 = tpu.vector_load %arg6[%swap3A_213, %swap3A_214] {strides = array<i32>} : memref<5x64xi32, #tpu.memory_space<vmem>>, vector<1x16xi32>,
    %swap3A_216 = vector.shape_cast %swap3A_215 : vector<1x16xi32> to vector<16xi32>
    %swap3A_217 = vector.shape_cast %min3A_211 : vector<16xi32> to vector<1x16xi32>
    tpu.vector_store %arg6[%swap3A_213, %swap3A_214], %swap3A_217 {strides = array<i32>} : memref<5x64xi32, #tpu.memory_space<vmem>>, vector<1x16xi32>,
    %add3A_218 = arith.constant 112 : i32
    %add3A_219 = arith.addi %mul3A_2, %add3A_218 : i32
    %add3A_220 = arith.constant 48 : i32
    %add3A_221 = arith.addi %add3A_219, %add3A_220 : i32
    %iota3A_222 = tpu.iota {dimensions = array<i32: 0>} : vector<16xi32>
    %add3A_223 = vector.broadcast %add3A_221 : i32 to vector<16xi32>
    %add3A_224 = arith.addi %add3A_223, %iota3A_222 : vector<16xi32>
    %min3A_225 = arith.minsi %add3A_224, %get3A_4 : vector<16xi32>
    %swap3A_226 = arith.constant 2 : i32
    %swap3A_227 = arith.index_cast %swap3A_226 : i32 to index
    %swap3A_228 = arith.constant 48 : index
    %swap3A_229 = tpu.vector_load %arg6[%swap3A_227, %swap3A_228] {strides = array<i32>} : memref<5x64xi32, #tpu.memory_space<vmem>>, vector<1x16xi32>,
    %swap3A_230 = vector.shape_cast %swap3A_229 : vector<1x16xi32> to vector<16xi32>
    %swap3A_231 = vector.shape_cast %min3A_225 : vector<16xi32> to vector<1x16xi32>
    tpu.vector_store %arg6[%swap3A_227, %swap3A_228], %swap3A_231 {strides = array<i32>} : memref<5x64xi32, #tpu.memory_space<vmem>>, vector<1x16xi32>,
    %dma_start3A_232 = arith.constant 2 : i32
    %dma_start3A_233 = arith.constant 0 : i32
    %dma_start3A_234 = arith.constant 0 : i32
    %dma_start3A_235 = arith.constant 0 : i32
    %dma_start3A_236 = tpu.memref_slice %arg7[%dma_start3A_233, %dma_start3A_234, %dma_start3A_235] : memref<2x56x1024xf32, #tpu.memory_space<vmem>> -> memref<1x56x1024xf32, #tpu.memory_space<vmem>>
    %dma_start3A_237 = tpu.memref_squeeze %dma_start3A_236 : memref<1x56x1024xf32, #tpu.memory_space<vmem>> -> memref<56x1024xf32, #tpu.memory_space<vmem>>
    %dma_start3A_238 = arith.constant 0 : i32
    %dma_start3A_239 = tpu.memref_slice %arg6[%dma_start3A_232, %dma_start3A_238] : memref<5x64xi32, #tpu.memory_space<vmem>> -> memref<1x56xi32, #tpu.memory_space<vmem>>
    %dma_start3A_240 = tpu.memref_squeeze %dma_start3A_239 : memref<1x56xi32, #tpu.memory_space<vmem>> -> memref<56xi32, #tpu.memory_space<vmem>>
    %dma_start3A_241 = arith.constant 0 : i32
    %dma_start3A_242 = arith.constant 0 : i32
    %dma_start3A_243 = tpu.memref_slice %arg3[%dma_start3A_241, %dma_start3A_242] : memref<8192x1024xf32, #tpu.memory_space<hbm>> -> memref<8192x1024xf32, #tpu.memory_space<hbm>>
    tpu.enqueue_indirect_dma source(%dma_start3A_243 : memref<8192x1024xf32, #tpu.memory_space<hbm>>) target(%dma_start3A_237 : memref<56x1024xf32, #tpu.memory_space<vmem>>) offsets(%dma_start3A_240 : memref<56xi32, #tpu.memory_space<vmem>>) semaphore(%arg8 : memref<!tpu.dma_semaphore, #tpu.memory_space<semaphore_mem>>)
    %dma_wait3A_244 = arith.constant 1 : i32
    %dma_wait3A_245 = arith.constant 1 : i32
    %dma_wait3A_246 = arith.constant 0 : i32
    %dma_wait3A_247 = arith.constant 0 : i32
    %dma_wait3A_248 = tpu.memref_slice %arg7[%dma_wait3A_245, %dma_wait3A_246, %dma_wait3A_247] : memref<2x56x1024xf32, #tpu.memory_space<vmem>> -> memref<1x56x1024xf32, #tpu.memory_space<vmem>>
    %dma_wait3A_249 = tpu.memref_squeeze %dma_wait3A_248 : memref<1x56x1024xf32, #tpu.memory_space<vmem>> -> memref<56x1024xf32, #tpu.memory_space<vmem>>
    %dma_wait3A_250 = arith.constant 0 : i32
    %dma_wait3A_251 = tpu.memref_slice %arg6[%dma_wait3A_244, %dma_wait3A_250] : memref<5x64xi32, #tpu.memory_space<vmem>> -> memref<1x56xi32, #tpu.memory_space<vmem>>
    %dma_wait3A_252 = tpu.memref_squeeze %dma_wait3A_251 : memref<1x56xi32, #tpu.memory_space<vmem>> -> memref<56xi32, #tpu.memory_space<vmem>>
    %dma_wait3A_253 = arith.constant 0 : i32
    %dma_wait3A_254 = arith.constant 0 : i32
    %dma_wait3A_255 = tpu.memref_slice %arg3[%dma_wait3A_253, %dma_wait3A_254] : memref<8192x1024xf32, #tpu.memory_space<hbm>> -> memref<8192x1024xf32, #tpu.memory_space<hbm>>
    tpu.wait_indirect_dma semaphore(%arg8 : memref<!tpu.dma_semaphore, #tpu.memory_space<semaphore_mem>>) src(%dma_wait3A_255 : memref<8192x1024xf32, #tpu.memory_space<hbm>>) dst(%dma_wait3A_249 : memref<56x1024xf32, #tpu.memory_space<vmem>>)
    %add3A_256 = arith.constant 56 : i32
    %add3A_257 = arith.addi %mul3A_2, %add3A_256 : i32
    %dma_start3A_258 = arith.constant 1 : i32
    %dma_start3A_259 = arith.constant 0 : i32
    %dma_start3A_260 = arith.constant 0 : i32
    %dma_start3A_261 = tpu.memref_slice %arg7[%dma_start3A_258, %dma_start3A_259, %dma_start3A_260] : memref<2x56x1024xf32, #tpu.memory_space<vmem>> -> memref<1x56x1024xf32, #tpu.memory_space<vmem>>
    %dma_start3A_262 = tpu.memref_squeeze %dma_start3A_261 : memref<1x56x1024xf32, #tpu.memory_space<vmem>> -> memref<56x1024xf32, #tpu.memory_space<vmem>>
    %dma_start3A_263 = arith.constant 0 : i32
    %dma_start3A_264 = tpu.memref_slice %arg4[%add3A_257, %dma_start3A_263] : memref<8192x1024xf32, #tpu.memory_space<hbm>> -> memref<56x1024xf32, #tpu.memory_space<hbm>>
    %dma_start3A_265 = arith.constant 0 : i32
    %dma_start3A_266 = tpu.memref_slice %arg4[%add3A_257, %dma_start3A_265] : memref<8192x1024xf32, #tpu.memory_space<hbm>> -> memref<56x1024xf32, #tpu.memory_space<hbm>>
    %dma_start3A_267 = arith.constant 0 : i32
    %dma_start3A_268 = arith.constant 0 : i32
    %dma_start3A_269 = tpu.memref_slice %arg7[%dma_start3A_258, %dma_start3A_267, %dma_start3A_268] : memref<2x56x1024xf32, #tpu.memory_space<vmem>> -> memref<1x56x1024xf32, #tpu.memory_space<vmem>>
    %dma_start3A_270 = tpu.memref_squeeze %dma_start3A_269 : memref<1x56x1024xf32, #tpu.memory_space<vmem>> -> memref<56x1024xf32, #tpu.memory_space<vmem>>
    tpu.enqueue_dma source(%dma_start3A_270 : memref<56x1024xf32, #tpu.memory_space<vmem>>) target(%dma_start3A_266 : memref<56x1024xf32, #tpu.memory_space<hbm>>) target_semaphore(%arg9 : memref<!tpu.dma_semaphore, #tpu.memory_space<semaphore_mem>>)
    %dma_wait3A_271 = arith.constant 1 : i32
    %dma_wait3A_272 = arith.constant 0 : i32
    %dma_wait3A_273 = arith.constant 0 : i32
    %dma_wait3A_274 = tpu.memref_slice %arg7[%dma_wait3A_271, %dma_wait3A_272, %dma_wait3A_273] : memref<2x56x1024xf32, #tpu.memory_space<vmem>> -> memref<1x56x1024xf32, #tpu.memory_space<vmem>>
    %dma_wait3A_275 = tpu.memref_squeeze %dma_wait3A_274 : memref<1x56x1024xf32, #tpu.memory_space<vmem>> -> memref<56x1024xf32, #tpu.memory_space<vmem>>
    %dma_wait3A_276 = arith.constant 0 : i32
    %dma_wait3A_277 = tpu.memref_slice %arg4[%add3A_257, %dma_wait3A_276] : memref<8192x1024xf32, #tpu.memory_space<hbm>> -> memref<56x1024xf32, #tpu.memory_space<hbm>>
    %dma_wait3A_278 = arith.constant 0 : i32
    %dma_wait3A_279 = tpu.memref_slice %arg4[%add3A_257, %dma_wait3A_278] : memref<8192x1024xf32, #tpu.memory_space<hbm>> -> memref<56x1024xf32, #tpu.memory_space<hbm>>
    %dma_wait3A_280 = arith.constant 0 : i32
    %dma_wait3A_281 = arith.constant 0 : i32
    %dma_wait3A_282 = tpu.memref_slice %arg7[%dma_wait3A_271, %dma_wait3A_280, %dma_wait3A_281] : memref<2x56x1024xf32, #tpu.memory_space<vmem>> -> memref<1x56x1024xf32, #tpu.memory_space<vmem>>
    %dma_wait3A_283 = tpu.memref_squeeze %dma_wait3A_282 : memref<1x56x1024xf32, #tpu.memory_space<vmem>> -> memref<56x1024xf32, #tpu.memory_space<vmem>>
    tpu.wait_dma2 semaphore(%arg9 : memref<!tpu.dma_semaphore, #tpu.memory_space<semaphore_mem>>) src(%dma_wait3A_283 : memref<56x1024xf32, #tpu.memory_space<vmem>>) dst(%dma_wait3A_279 : memref<56x1024xf32, #tpu.memory_space<hbm>>)
    %add3A_284 = arith.constant 168 : i32
    %add3A_285 = arith.addi %mul3A_2, %add3A_284 : i32
    %add3A_286 = arith.constant 0 : i32
    %add3A_287 = arith.addi %add3A_285, %add3A_286 : i32
    %iota3A_288 = tpu.iota {dimensions = array<i32: 0>} : vector<16xi32>
    %add3A_289 = vector.broadcast %add3A_287 : i32 to vector<16xi32>
    %add3A_290 = arith.addi %add3A_289, %iota3A_288 : vector<16xi32>
    %min3A_291 = arith.minsi %add3A_290, %get3A_4 : vector<16xi32>
    %swap3A_292 = arith.constant 3 : i32
    %swap3A_293 = arith.index_cast %swap3A_292 : i32 to index
    %swap3A_294 = arith.constant 0 : index
    %swap3A_295 = tpu.vector_load %arg6[%swap3A_293, %swap3A_294] {strides = array<i32>} : memref<5x64xi32, #tpu.memory_space<vmem>>, vector<1x16xi32>,
    %swap3A_296 = vector.shape_cast %swap3A_295 : vector<1x16xi32> to vector<16xi32>
    %swap3A_297 = vector.shape_cast %min3A_291 : vector<16xi32> to vector<1x16xi32>
    tpu.vector_store %arg6[%swap3A_293, %swap3A_294], %swap3A_297 {strides = array<i32>} : memref<5x64xi32, #tpu.memory_space<vmem>>, vector<1x16xi32>,
    %add3A_298 = arith.constant 168 : i32
    %add3A_299 = arith.addi %mul3A_2, %add3A_298 : i32
    %add3A_300 = arith.constant 16 : i32
    %add3A_301 = arith.addi %add3A_299, %add3A_300 : i32
    %iota3A_302 = tpu.iota {dimensions = array<i32: 0>} : vector<16xi32>
    %add3A_303 = vector.broadcast %add3A_301 : i32 to vector<16xi32>
    %add3A_304 = arith.addi %add3A_303, %iota3A_302 : vector<16xi32>
    %min3A_305 = arith.minsi %add3A_304, %get3A_4 : vector<16xi32>
    %swap3A_306 = arith.constant 3 : i32
    %swap3A_307 = arith.index_cast %swap3A_306 : i32 to index
    %swap3A_308 = arith.constant 16 : index
    %swap3A_309 = tpu.vector_load %arg6[%swap3A_307, %swap3A_308] {strides = array<i32>} : memref<5x64xi32, #tpu.memory_space<vmem>>, vector<1x16xi32>,
    %swap3A_310 = vector.shape_cast %swap3A_309 : vector<1x16xi32> to vector<16xi32>
    %swap3A_311 = vector.shape_cast %min3A_305 : vector<16xi32> to vector<1x16xi32>
    tpu.vector_store %arg6[%swap3A_307, %swap3A_308], %swap3A_311 {strides = array<i32>} : memref<5x64xi32, #tpu.memory_space<vmem>>, vector<1x16xi32>,
    %add3A_312 = arith.constant 168 : i32
    %add3A_313 = arith.addi %mul3A_2, %add3A_312 : i32
    %add3A_314 = arith.constant 32 : i32
    %add3A_315 = arith.addi %add3A_313, %add3A_314 : i32
    %iota3A_316 = tpu.iota {dimensions = array<i32: 0>} : vector<16xi32>
    %add3A_317 = vector.broadcast %add3A_315 : i32 to vector<16xi32>
    %add3A_318 = arith.addi %add3A_317, %iota3A_316 : vector<16xi32>
    %min3A_319 = arith.minsi %add3A_318, %get3A_4 : vector<16xi32>
    %swap3A_320 = arith.constant 3 : i32
    %swap3A_321 = arith.index_cast %swap3A_320 : i32 to index
    %swap3A_322 = arith.constant 32 : index
    %swap3A_323 = tpu.vector_load %arg6[%swap3A_321, %swap3A_322] {strides = array<i32>} : memref<5x64xi32, #tpu.memory_space<vmem>>, vector<1x16xi32>,
    %swap3A_324 = vector.shape_cast %swap3A_323 : vector<1x16xi32> to vector<16xi32>
    %swap3A_325 = vector.shape_cast %min3A_319 : vector<16xi32> to vector<1x16xi32>
    tpu.vector_store %arg6[%swap3A_321, %swap3A_322], %swap3A_325 {strides = array<i32>} : memref<5x64xi32, #tpu.memory_space<vmem>>, vector<1x16xi32>,
    %add3A_326 = arith.constant 168 : i32
    %add3A_327 = arith.addi %mul3A_2, %add3A_326 : i32
    %add3A_328 = arith.constant 48 : i32
    %add3A_329 = arith.addi %add3A_327, %add3A_328 : i32
    %iota3A_330 = tpu.iota {dimensions = array<i32: 0>} : vector<16xi32>
    %add3A_331 = vector.broadcast %add3A_329 : i32 to vector<16xi32>
    %add3A_332 = arith.addi %add3A_331, %iota3A_330 : vector<16xi32>
    %min3A_333 = arith.minsi %add3A_332, %get3A_4 : vector<16xi32>
    %swap3A_334 = arith.constant 3 : i32
    %swap3A_335 = arith.index_cast %swap3A_334 : i32 to index
    %swap3A_336 = arith.constant 48 : index
    %swap3A_337 = tpu.vector_load %arg6[%swap3A_335, %swap3A_336] {strides = array<i32>} : memref<5x64xi32, #tpu.memory_space<vmem>>, vector<1x16xi32>,
    %swap3A_338 = vector.shape_cast %swap3A_337 : vector<1x16xi32> to vector<16xi32>
    %swap3A_339 = vector.shape_cast %min3A_333 : vector<16xi32> to vector<1x16xi32>
    tpu.vector_store %arg6[%swap3A_335, %swap3A_336], %swap3A_339 {strides = array<i32>} : memref<5x64xi32, #tpu.memory_space<vmem>>, vector<1x16xi32>,
    %dma_start3A_340 = arith.constant 3 : i32
    %dma_start3A_341 = arith.constant 1 : i32
    %dma_start3A_342 = arith.constant 0 : i32
    %dma_start3A_343 = arith.constant 0 : i32
    %dma_start3A_344 = tpu.memref_slice %arg7[%dma_start3A_341, %dma_start3A_342, %dma_start3A_343] : memref<2x56x1024xf32, #tpu.memory_space<vmem>> -> memref<1x56x1024xf32, #tpu.memory_space<vmem>>
    %dma_start3A_345 = tpu.memref_squeeze %dma_start3A_344 : memref<1x56x1024xf32, #tpu.memory_space<vmem>> -> memref<56x1024xf32, #tpu.memory_space<vmem>>
    %dma_start3A_346 = arith.constant 0 : i32
    %dma_start3A_347 = tpu.memref_slice %arg6[%dma_start3A_340, %dma_start3A_346] : memref<5x64xi32, #tpu.memory_space<vmem>> -> memref<1x56xi32, #tpu.memory_space<vmem>>
    %dma_start3A_348 = tpu.memref_squeeze %dma_start3A_347 : memref<1x56xi32, #tpu.memory_space<vmem>> -> memref<56xi32, #tpu.memory_space<vmem>>
    %dma_start3A_349 = arith.constant 0 : i32
    %dma_start3A_350 = arith.constant 0 : i32
    %dma_start3A_351 = tpu.memref_slice %arg3[%dma_start3A_349, %dma_start3A_350] : memref<8192x1024xf32, #tpu.memory_space<hbm>> -> memref<8192x1024xf32, #tpu.memory_space<hbm>>
    tpu.enqueue_indirect_dma source(%dma_start3A_351 : memref<8192x1024xf32, #tpu.memory_space<hbm>>) target(%dma_start3A_345 : memref<56x1024xf32, #tpu.memory_space<vmem>>) offsets(%dma_start3A_348 : memref<56xi32, #tpu.memory_space<vmem>>) semaphore(%arg8 : memref<!tpu.dma_semaphore, #tpu.memory_space<semaphore_mem>>)
    %dma_wait3A_352 = arith.constant 2 : i32
    %dma_wait3A_353 = arith.constant 0 : i32
    %dma_wait3A_354 = arith.constant 0 : i32
    %dma_wait3A_355 = arith.constant 0 : i32
    %dma_wait3A_356 = tpu.memref_slice %arg7[%dma_wait3A_353, %dma_wait3A_354, %dma_wait3A_355] : memref<2x56x1024xf32, #tpu.memory_space<vmem>> -> memref<1x56x1024xf32, #tpu.memory_space<vmem>>
    %dma_wait3A_357 = tpu.memref_squeeze %dma_wait3A_356 : memref<1x56x1024xf32, #tpu.memory_space<vmem>> -> memref<56x1024xf32, #tpu.memory_space<vmem>>
    %dma_wait3A_358 = arith.constant 0 : i32
    %dma_wait3A_359 = tpu.memref_slice %arg6[%dma_wait3A_352, %dma_wait3A_358] : memref<5x64xi32, #tpu.memory_space<vmem>> -> memref<1x56xi32, #tpu.memory_space<vmem>>
    %dma_wait3A_360 = tpu.memref_squeeze %dma_wait3A_359 : memref<1x56xi32, #tpu.memory_space<vmem>> -> memref<56xi32, #tpu.memory_space<vmem>>
    %dma_wait3A_361 = arith.constant 0 : i32
    %dma_wait3A_362 = arith.constant 0 : i32
    %dma_wait3A_363 = tpu.memref_slice %arg3[%dma_wait3A_361, %dma_wait3A_362] : memref<8192x1024xf32, #tpu.memory_space<hbm>> -> memref<8192x1024xf32, #tpu.memory_space<hbm>>
    tpu.wait_indirect_dma semaphore(%arg8 : memref<!tpu.dma_semaphore, #tpu.memory_space<semaphore_mem>>) src(%dma_wait3A_363 : memref<8192x1024xf32, #tpu.memory_space<hbm>>) dst(%dma_wait3A_357 : memref<56x1024xf32, #tpu.memory_space<vmem>>)
    %add3A_364 = arith.constant 112 : i32
    %add3A_365 = arith.addi %mul3A_2, %add3A_364 : i32
    %dma_start3A_366 = arith.constant 0 : i32
    %dma_start3A_367 = arith.constant 0 : i32
    %dma_start3A_368 = arith.constant 0 : i32
    %dma_start3A_369 = tpu.memref_slice %arg7[%dma_start3A_366, %dma_start3A_367, %dma_start3A_368] : memref<2x56x1024xf32, #tpu.memory_space<vmem>> -> memref<1x56x1024xf32, #tpu.memory_space<vmem>>
    %dma_start3A_370 = tpu.memref_squeeze %dma_start3A_369 : memref<1x56x1024xf32, #tpu.memory_space<vmem>> -> memref<56x1024xf32, #tpu.memory_space<vmem>>
    %dma_start3A_371 = arith.constant 0 : i32
    %dma_start3A_372 = tpu.memref_slice %arg4[%add3A_365, %dma_start3A_371] : memref<8192x1024xf32, #tpu.memory_space<hbm>> -> memref<56x1024xf32, #tpu.memory_space<hbm>>
    %dma_start3A_373 = arith.constant 0 : i32
    %dma_start3A_374 = tpu.memref_slice %arg4[%add3A_365, %dma_start3A_373] : memref<8192x1024xf32, #tpu.memory_space<hbm>> -> memref<56x1024xf32, #tpu.memory_space<hbm>>
    %dma_start3A_375 = arith.constant 0 : i32
    %dma_start3A_376 = arith.constant 0 : i32
    %dma_start3A_377 = tpu.memref_slice %arg7[%dma_start3A_366, %dma_start3A_375, %dma_start3A_376] : memref<2x56x1024xf32, #tpu.memory_space<vmem>> -> memref<1x56x1024xf32, #tpu.memory_space<vmem>>
    %dma_start3A_378 = tpu.memref_squeeze %dma_start3A_377 : memref<1x56x1024xf32, #tpu.memory_space<vmem>> -> memref<56x1024xf32, #tpu.memory_space<vmem>>
    tpu.enqueue_dma source(%dma_start3A_378 : memref<56x1024xf32, #tpu.memory_space<vmem>>) target(%dma_start3A_374 : memref<56x1024xf32, #tpu.memory_space<hbm>>) target_semaphore(%arg9 : memref<!tpu.dma_semaphore, #tpu.memory_space<semaphore_mem>>)
    %dma_wait3A_379 = arith.constant 0 : i32
    %dma_wait3A_380 = arith.constant 0 : i32
    %dma_wait3A_381 = arith.constant 0 : i32
    %dma_wait3A_382 = tpu.memref_slice %arg7[%dma_wait3A_379, %dma_wait3A_380, %dma_wait3A_381] : memref<2x56x1024xf32, #tpu.memory_space<vmem>> -> memref<1x56x1024xf32, #tpu.memory_space<vmem>>
    %dma_wait3A_383 = tpu.memref_squeeze %dma_wait3A_382 : memref<1x56x1024xf32, #tpu.memory_space<vmem>> -> memref<56x1024xf32, #tpu.memory_space<vmem>>
    %dma_wait3A_384 = arith.constant 0 : i32
    %dma_wait3A_385 = tpu.memref_slice %arg4[%add3A_365, %dma_wait3A_384] : memref<8192x1024xf32, #tpu.memory_space<hbm>> -> memref<56x1024xf32, #tpu.memory_space<hbm>>
    %dma_wait3A_386 = arith.constant 0 : i32
    %dma_wait3A_387 = tpu.memref_slice %arg4[%add3A_365, %dma_wait3A_386] : memref<8192x1024xf32, #tpu.memory_space<hbm>> -> memref<56x1024xf32, #tpu.memory_space<hbm>>
    %dma_wait3A_388 = arith.constant 0 : i32
    %dma_wait3A_389 = arith.constant 0 : i32
    %dma_wait3A_390 = tpu.memref_slice %arg7[%dma_wait3A_379, %dma_wait3A_388, %dma_wait3A_389] : memref<2x56x1024xf32, #tpu.memory_space<vmem>> -> memref<1x56x1024xf32, #tpu.memory_space<vmem>>
    %dma_wait3A_391 = tpu.memref_squeeze %dma_wait3A_390 : memref<1x56x1024xf32, #tpu.memory_space<vmem>> -> memref<56x1024xf32, #tpu.memory_space<vmem>>
    tpu.wait_dma2 semaphore(%arg9 : memref<!tpu.dma_semaphore, #tpu.memory_space<semaphore_mem>>) src(%dma_wait3A_391 : memref<56x1024xf32, #tpu.memory_space<vmem>>) dst(%dma_wait3A_387 : memref<56x1024xf32, #tpu.memory_space<hbm>>)
    %add3A_392 = arith.constant 224 : i32
    %add3A_393 = arith.addi %mul3A_2, %add3A_392 : i32
    %add3A_394 = arith.constant 0 : i32
    %add3A_395 = arith.addi %add3A_393, %add3A_394 : i32
    %iota3A_396 = tpu.iota {dimensions = array<i32: 0>} : vector<16xi32>
    %add3A_397 = vector.broadcast %add3A_395 : i32 to vector<16xi32>
    %add3A_398 = arith.addi %add3A_397, %iota3A_396 : vector<16xi32>
    %min3A_399 = arith.minsi %add3A_398, %get3A_4 : vector<16xi32>
    %swap3A_400 = arith.constant 4 : i32
    %swap3A_401 = arith.index_cast %swap3A_400 : i32 to index
    %swap3A_402 = arith.constant 0 : index
    %swap3A_403 = tpu.vector_load %arg6[%swap3A_401, %swap3A_402] {strides = array<i32>} : memref<5x64xi32, #tpu.memory_space<vmem>>, vector<1x16xi32>,
    %swap3A_404 = vector.shape_cast %swap3A_403 : vector<1x16xi32> to vector<16xi32>
    %swap3A_405 = vector.shape_cast %min3A_399 : vector<16xi32> to vector<1x16xi32>
    tpu.vector_store %arg6[%swap3A_401, %swap3A_402], %swap3A_405 {strides = array<i32>} : memref<5x64xi32, #tpu.memory_space<vmem>>, vector<1x16xi32>,
    %add3A_406 = arith.constant 224 : i32
    %add3A_407 = arith.addi %mul3A_2, %add3A_406 : i32
    %add3A_408 = arith.constant 16 : i32
    %add3A_409 = arith.addi %add3A_407, %add3A_408 : i32
    %iota3A_410 = tpu.iota {dimensions = array<i32: 0>} : vector<16xi32>
    %add3A_411 = vector.broadcast %add3A_409 : i32 to vector<16xi32>
    %add3A_412 = arith.addi %add3A_411, %iota3A_410 : vector<16xi32>
    %min3A_413 = arith.minsi %add3A_412, %get3A_4 : vector<16xi32>
    %swap3A_414 = arith.constant 4 : i32
    %swap3A_415 = arith.index_cast %swap3A_414 : i32 to index
    %swap3A_416 = arith.constant 16 : index
    %swap3A_417 = tpu.vector_load %arg6[%swap3A_415, %swap3A_416] {strides = array<i32>} : memref<5x64xi32, #tpu.memory_space<vmem>>, vector<1x16xi32>,
    %swap3A_418 = vector.shape_cast %swap3A_417 : vector<1x16xi32> to vector<16xi32>
    %swap3A_419 = vector.shape_cast %min3A_413 : vector<16xi32> to vector<1x16xi32>
    tpu.vector_store %arg6[%swap3A_415, %swap3A_416], %swap3A_419 {strides = array<i32>} : memref<5x64xi32, #tpu.memory_space<vmem>>, vector<1x16xi32>,
    %dma_start3A_420 = arith.constant 4 : i32
    %dma_start3A_421 = arith.constant 0 : i32
    %dma_start3A_422 = arith.constant 0 : i32
    %dma_start3A_423 = arith.constant 0 : i32
    %dma_start3A_424 = tpu.memref_slice %arg7[%dma_start3A_421, %dma_start3A_422, %dma_start3A_423] : memref<2x56x1024xf32, #tpu.memory_space<vmem>> -> memref<1x32x1024xf32, #tpu.memory_space<vmem>>
    %dma_start3A_425 = tpu.memref_squeeze %dma_start3A_424 : memref<1x32x1024xf32, #tpu.memory_space<vmem>> -> memref<32x1024xf32, #tpu.memory_space<vmem>>
    %dma_start3A_426 = arith.constant 0 : i32
    %dma_start3A_427 = tpu.memref_slice %arg6[%dma_start3A_420, %dma_start3A_426] : memref<5x64xi32, #tpu.memory_space<vmem>> -> memref<1x32xi32, #tpu.memory_space<vmem>>
    %dma_start3A_428 = tpu.memref_squeeze %dma_start3A_427 : memref<1x32xi32, #tpu.memory_space<vmem>> -> memref<32xi32, #tpu.memory_space<vmem>>
    %dma_start3A_429 = arith.constant 0 : i32
    %dma_start3A_430 = arith.constant 0 : i32
    %dma_start3A_431 = tpu.memref_slice %arg3[%dma_start3A_429, %dma_start3A_430] : memref<8192x1024xf32, #tpu.memory_space<hbm>> -> memref<8192x1024xf32, #tpu.memory_space<hbm>>
    tpu.enqueue_indirect_dma source(%dma_start3A_431 : memref<8192x1024xf32, #tpu.memory_space<hbm>>) target(%dma_start3A_425 : memref<32x1024xf32, #tpu.memory_space<vmem>>) offsets(%dma_start3A_428 : memref<32xi32, #tpu.memory_space<vmem>>) semaphore(%arg8 : memref<!tpu.dma_semaphore, #tpu.memory_space<semaphore_mem>>)
    %dma_wait3A_432 = arith.constant 3 : i32
    %dma_wait3A_433 = arith.constant 1 : i32
    %dma_wait3A_434 = arith.constant 0 : i32
    %dma_wait3A_435 = arith.constant 0 : i32
    %dma_wait3A_436 = tpu.memref_slice %arg7[%dma_wait3A_433, %dma_wait3A_434, %dma_wait3A_435] : memref<2x56x1024xf32, #tpu.memory_space<vmem>> -> memref<1x56x1024xf32, #tpu.memory_space<vmem>>
    %dma_wait3A_437 = tpu.memref_squeeze %dma_wait3A_436 : memref<1x56x1024xf32, #tpu.memory_space<vmem>> -> memref<56x1024xf32, #tpu.memory_space<vmem>>
    %dma_wait3A_438 = arith.constant 0 : i32
    %dma_wait3A_439 = tpu.memref_slice %arg6[%dma_wait3A_432, %dma_wait3A_438] : memref<5x64xi32, #tpu.memory_space<vmem>> -> memref<1x56xi32, #tpu.memory_space<vmem>>
    %dma_wait3A_440 = tpu.memref_squeeze %dma_wait3A_439 : memref<1x56xi32, #tpu.memory_space<vmem>> -> memref<56xi32, #tpu.memory_space<vmem>>
    %dma_wait3A_441 = arith.constant 0 : i32
    %dma_wait3A_442 = arith.constant 0 : i32
    %dma_wait3A_443 = tpu.memref_slice %arg3[%dma_wait3A_441, %dma_wait3A_442] : memref<8192x1024xf32, #tpu.memory_space<hbm>> -> memref<8192x1024xf32, #tpu.memory_space<hbm>>
    tpu.wait_indirect_dma semaphore(%arg8 : memref<!tpu.dma_semaphore, #tpu.memory_space<semaphore_mem>>) src(%dma_wait3A_443 : memref<8192x1024xf32, #tpu.memory_space<hbm>>) dst(%dma_wait3A_437 : memref<56x1024xf32, #tpu.memory_space<vmem>>)
    %add3A_444 = arith.constant 168 : i32
    %add3A_445 = arith.addi %mul3A_2, %add3A_444 : i32
    %dma_start3A_446 = arith.constant 1 : i32
    %dma_start3A_447 = arith.constant 0 : i32
    %dma_start3A_448 = arith.constant 0 : i32
    %dma_start3A_449 = tpu.memref_slice %arg7[%dma_start3A_446, %dma_start3A_447, %dma_start3A_448] : memref<2x56x1024xf32, #tpu.memory_space<vmem>> -> memref<1x56x1024xf32, #tpu.memory_space<vmem>>
    %dma_start3A_450 = tpu.memref_squeeze %dma_start3A_449 : memref<1x56x1024xf32, #tpu.memory_space<vmem>> -> memref<56x1024xf32, #tpu.memory_space<vmem>>
    %dma_start3A_451 = arith.constant 0 : i32
    %dma_start3A_452 = tpu.memref_slice %arg4[%add3A_445, %dma_start3A_451] : memref<8192x1024xf32, #tpu.memory_space<hbm>> -> memref<56x1024xf32, #tpu.memory_space<hbm>>
    %dma_start3A_453 = arith.constant 0 : i32
    %dma_start3A_454 = tpu.memref_slice %arg4[%add3A_445, %dma_start3A_453] : memref<8192x1024xf32, #tpu.memory_space<hbm>> -> memref<56x1024xf32, #tpu.memory_space<hbm>>
    %dma_start3A_455 = arith.constant 0 : i32
    %dma_start3A_456 = arith.constant 0 : i32
    %dma_start3A_457 = tpu.memref_slice %arg7[%dma_start3A_446, %dma_start3A_455, %dma_start3A_456] : memref<2x56x1024xf32, #tpu.memory_space<vmem>> -> memref<1x56x1024xf32, #tpu.memory_space<vmem>>
    %dma_start3A_458 = tpu.memref_squeeze %dma_start3A_457 : memref<1x56x1024xf32, #tpu.memory_space<vmem>> -> memref<56x1024xf32, #tpu.memory_space<vmem>>
    tpu.enqueue_dma source(%dma_start3A_458 : memref<56x1024xf32, #tpu.memory_space<vmem>>) target(%dma_start3A_454 : memref<56x1024xf32, #tpu.memory_space<hbm>>) target_semaphore(%arg9 : memref<!tpu.dma_semaphore, #tpu.memory_space<semaphore_mem>>)
    %dma_wait3A_459 = arith.constant 4 : i32
    %dma_wait3A_460 = arith.constant 0 : i32
    %dma_wait3A_461 = arith.constant 0 : i32
    %dma_wait3A_462 = arith.constant 0 : i32
    %dma_wait3A_463 = tpu.memref_slice %arg7[%dma_wait3A_460, %dma_wait3A_461, %dma_wait3A_462] : memref<2x56x1024xf32, #tpu.memory_space<vmem>> -> memref<1x32x1024xf32, #tpu.memory_space<vmem>>
    %dma_wait3A_464 = tpu.memref_squeeze %dma_wait3A_463 : memref<1x32x1024xf32, #tpu.memory_space<vmem>> -> memref<32x1024xf32, #tpu.memory_space<vmem>>
    %dma_wait3A_465 = arith.constant 0 : i32
    %dma_wait3A_466 = tpu.memref_slice %arg6[%dma_wait3A_459, %dma_wait3A_465] : memref<5x64xi32, #tpu.memory_space<vmem>> -> memref<1x32xi32, #tpu.memory_space<vmem>>
    %dma_wait3A_467 = tpu.memref_squeeze %dma_wait3A_466 : memref<1x32xi32, #tpu.memory_space<vmem>> -> memref<32xi32, #tpu.memory_space<vmem>>
    %dma_wait3A_468 = arith.constant 0 : i32
    %dma_wait3A_469 = arith.constant 0 : i32
    %dma_wait3A_470 = tpu.memref_slice %arg3[%dma_wait3A_468, %dma_wait3A_469] : memref<8192x1024xf32, #tpu.memory_space<hbm>> -> memref<8192x1024xf32, #tpu.memory_space<hbm>>
    tpu.wait_indirect_dma semaphore(%arg8 : memref<!tpu.dma_semaphore, #tpu.memory_space<semaphore_mem>>) src(%dma_wait3A_470 : memref<8192x1024xf32, #tpu.memory_space<hbm>>) dst(%dma_wait3A_464 : memref<32x1024xf32, #tpu.memory_space<vmem>>)
    %add3A_471 = arith.constant 224 : i32
    %add3A_472 = arith.addi %mul3A_2, %add3A_471 : i32
    %dma_start3A_473 = arith.constant 0 : i32
    %dma_start3A_474 = arith.constant 0 : i32
    %dma_start3A_475 = arith.constant 0 : i32
    %dma_start3A_476 = tpu.memref_slice %arg7[%dma_start3A_473, %dma_start3A_474, %dma_start3A_475] : memref<2x56x1024xf32, #tpu.memory_space<vmem>> -> memref<1x32x1024xf32, #tpu.memory_space<vmem>>
    %dma_start3A_477 = tpu.memref_squeeze %dma_start3A_476 : memref<1x32x1024xf32, #tpu.memory_space<vmem>> -> memref<32x1024xf32, #tpu.memory_space<vmem>>
    %dma_start3A_478 = arith.constant 0 : i32
    %dma_start3A_479 = tpu.memref_slice %arg4[%add3A_472, %dma_start3A_478] : memref<8192x1024xf32, #tpu.memory_space<hbm>> -> memref<32x1024xf32, #tpu.memory_space<hbm>>
    %dma_start3A_480 = arith.constant 0 : i32
    %dma_start3A_481 = tpu.memref_slice %arg4[%add3A_472, %dma_start3A_480] : memref<8192x1024xf32, #tpu.memory_space<hbm>> -> memref<32x1024xf32, #tpu.memory_space<hbm>>
    %dma_start3A_482 = arith.constant 0 : i32
    %dma_start3A_483 = arith.constant 0 : i32
    %dma_start3A_484 = tpu.memref_slice %arg7[%dma_start3A_473, %dma_start3A_482, %dma_start3A_483] : memref<2x56x1024xf32, #tpu.memory_space<vmem>> -> memref<1x32x1024xf32, #tpu.memory_space<vmem>>
    %dma_start3A_485 = tpu.memref_squeeze %dma_start3A_484 : memref<1x32x1024xf32, #tpu.memory_space<vmem>> -> memref<32x1024xf32, #tpu.memory_space<vmem>>
    tpu.enqueue_dma source(%dma_start3A_485 : memref<32x1024xf32, #tpu.memory_space<vmem>>) target(%dma_start3A_481 : memref<32x1024xf32, #tpu.memory_space<hbm>>) target_semaphore(%arg9 : memref<!tpu.dma_semaphore, #tpu.memory_space<semaphore_mem>>)
    %dma_wait3A_486 = arith.constant 1 : i32
    %dma_wait3A_487 = arith.constant 0 : i32
    %dma_wait3A_488 = arith.constant 0 : i32
    %dma_wait3A_489 = tpu.memref_slice %arg7[%dma_wait3A_486, %dma_wait3A_487, %dma_wait3A_488] : memref<2x56x1024xf32, #tpu.memory_space<vmem>> -> memref<1x56x1024xf32, #tpu.memory_space<vmem>>
    %dma_wait3A_490 = tpu.memref_squeeze %dma_wait3A_489 : memref<1x56x1024xf32, #tpu.memory_space<vmem>> -> memref<56x1024xf32, #tpu.memory_space<vmem>>
    %dma_wait3A_491 = arith.constant 0 : i32
    %dma_wait3A_492 = tpu.memref_slice %arg4[%add3A_445, %dma_wait3A_491] : memref<8192x1024xf32, #tpu.memory_space<hbm>> -> memref<56x1024xf32, #tpu.memory_space<hbm>>
    %dma_wait3A_493 = arith.constant 0 : i32
    %dma_wait3A_494 = tpu.memref_slice %arg4[%add3A_445, %dma_wait3A_493] : memref<8192x1024xf32, #tpu.memory_space<hbm>> -> memref<56x1024xf32, #tpu.memory_space<hbm>>
    %dma_wait3A_495 = arith.constant 0 : i32
    %dma_wait3A_496 = arith.constant 0 : i32
    %dma_wait3A_497 = tpu.memref_slice %arg7[%dma_wait3A_486, %dma_wait3A_495, %dma_wait3A_496] : memref<2x56x1024xf32, #tpu.memory_space<vmem>> -> memref<1x56x1024xf32, #tpu.memory_space<vmem>>
    %dma_wait3A_498 = tpu.memref_squeeze %dma_wait3A_497 : memref<1x56x1024xf32, #tpu.memory_space<vmem>> -> memref<56x1024xf32, #tpu.memory_space<vmem>>
    tpu.wait_dma2 semaphore(%arg9 : memref<!tpu.dma_semaphore, #tpu.memory_space<semaphore_mem>>) src(%dma_wait3A_498 : memref<56x1024xf32, #tpu.memory_space<vmem>>) dst(%dma_wait3A_494 : memref<56x1024xf32, #tpu.memory_space<hbm>>)
    %dma_wait3A_499 = arith.constant 0 : i32
    %dma_wait3A_500 = arith.constant 0 : i32
    %dma_wait3A_501 = arith.constant 0 : i32
    %dma_wait3A_502 = tpu.memref_slice %arg7[%dma_wait3A_499, %dma_wait3A_500, %dma_wait3A_501] : memref<2x56x1024xf32, #tpu.memory_space<vmem>> -> memref<1x32x1024xf32, #tpu.memory_space<vmem>>
    %dma_wait3A_503 = tpu.memref_squeeze %dma_wait3A_502 : memref<1x32x1024xf32, #tpu.memory_space<vmem>> -> memref<32x1024xf32, #tpu.memory_space<vmem>>
    %dma_wait3A_504 = arith.constant 0 : i32
    %dma_wait3A_505 = tpu.memref_slice %arg4[%add3A_472, %dma_wait3A_504] : memref<8192x1024xf32, #tpu.memory_space<hbm>> -> memref<32x1024xf32, #tpu.memory_space<hbm>>
    %dma_wait3A_506 = arith.constant 0 : i32
    %dma_wait3A_507 = tpu.memref_slice %arg4[%add3A_472, %dma_wait3A_506] : memref<8192x1024xf32, #tpu.memory_space<hbm>> -> memref<32x1024xf32, #tpu.memory_space<hbm>>
    %dma_wait3A_508 = arith.constant 0 : i32
    %dma_wait3A_509 = arith.constant 0 : i32
    %dma_wait3A_510 = tpu.memref_slice %arg7[%dma_wait3A_499, %dma_wait3A_508, %dma_wait3A_509] : memref<2x56x1024xf32, #tpu.memory_space<vmem>> -> memref<1x32x1024xf32, #tpu.memory_space<vmem>>
    %dma_wait3A_511 = tpu.memref_squeeze %dma_wait3A_510 : memref<1x32x1024xf32, #tpu.memory_space<vmem>> -> memref<32x1024xf32, #tpu.memory_space<vmem>>
    tpu.wait_dma2 semaphore(%arg9 : memref<!tpu.dma_semaphore, #tpu.memory_space<semaphore_mem>>) src(%dma_wait3A_511 : memref<32x1024xf32, #tpu.memory_space<vmem>>) dst(%dma_wait3A_507 : memref<32x1024xf32, #tpu.memory_space<hbm>>)
    return
  }
}

</mosaic_0001>

<sc_bundles>
// kernel: kernel.3.cloned.1.call-start
scs
__scs_entry_jumppad:
0x0: {  	(pc) =	sbr.rel $0x88, $3  }
0x1: {  	(tag) =	ssettag $0x0;
	lr =	simm.s32 $0x1  }
0x2: {  	[smem:$0x3F9F] =	sst lr;
	_ =	strace $0xD0000000  }
0x3: {  	_ = 	snop  }
0x4: {  	_ = 	snop  }
0x5: {  	_ = 	snop  }
0x6: {  	_ = 	snop  }
0x7: {  	_ = 	snop  }
__scs_overlays_trampoline_lowered:
0x8: {  	[smem:$0x3FAE] =	sst s0  }
0x9: {  	[smem:$0x3FAF] =	sst s1  }
0xa: {  	[smem:$0x3FB0] =	sst s2  }
0xb: {  	[smem:$0x3FB1] =	sst s3  }
0xc: {  	[smem:$0x3FB2] =	sst s4  }
0xd: {  	[smem:$0x3FB3] =	sst s5  }
0xe: {  	[smem:$0x3FB4] =	sst s6  }
0xf: {  	[smem:$0x3FB5] =	sst s7  }
0x10: {  	[smem:$0x3FB6] =	sst s8  }
0x11: {  	[smem:$0x3FB7] =	sst s9;
	s0 =	simm.s32 @!p0 $0x0  }
0x12: {  	s1 =	sld [smem:$0x3F9D];
	s0 =	simm.s32 @p0 $0x1  }
0x13: {  	[smem:$0x3FB8] =	sst s0;
	s0 =	simm.s32 @!p1 $0x0  }
0x14: {  	s2 =	sld [smem:$0x3F9C];
	s0 =	simm.s32 @p1 $0x1  }
0x15: {  	[smem:$0x3FB9] =	sst s0;
	s0 =	simm.s32 @!p2 $0x0  }
0x16: {  	s3 =	sld [smem:$0x3FDB];
	s0 =	simm.s32 @p2 $0x1  }
0x17: {  	s4 =	simm.s32 $0x1BF5;
	[smem:$0x3FBB] =	sst s0  }
0x18: {  	s0 =	sld [smem:$0x3F9E];
	_ =	swait.ge [sflag:s4], $0x0  }
0x19: {  	s7 =	sld [smem:$0x3F9F]  }
0x1a: {  	s8 =	sadd.s32 $0xFFFFE003, lr  }
0x1b: {  	s9 =	sadd.s32 $0xFFFFFEF7, lr;
	s5 =	simm.s32 $0xFFFFFFFF;
	p2 =	slt.u32 s8, $0xFFFFF086  }
0x1c: {  	p1 =	slt.u32 s9, $0xF7A;
	s5 =	simm.s32 @!p2 $0x0  }
0x1d: {  	s5 =	simm.s32 @p1 $0x1;
	p0 =	seq.s32 s7, s2  }
0x1e: {  	s7 =	smul.u32 @!p0 $0xF7A, s2;
	p2 =	seq.s32 @!p0 s5, $0x0  }
0x1f: {  	s9 =	smul.u32 $0xF7A, s1;
	s8 =	simm.s32 @!p0 $0x1BF5;
	p2 =	por !p2, p0  }
0x20: {  	[sflag:s8] =	ssyncset.s32 @!p0 $0xFFFFF086;
	s6 =	sadd.s32 @!p0 s3, s7;
	s7 =	simm.s32 @!p0 $0x108  }
0x21: {  	s3 =	sadd.s32 s3, s9;
	s6 =	sadd.s32 @!p0 $0x88, s6;
	s7 =	simm.s32 @p2 $0x1082  }
0x22: {  	[simem:s7], [sflag:s8] =	dma.local @!p0 [hbm:s6], $0xF7A  }
0x23: {  	s9 =	sor.u32 $0xD0000000, s2;
	s6 =	simm.s32 $0x108;
	_ =	swait.ge @!p0 [sflag:s8], $0x0  }
0x24: {  	s3 =	sadd.s32 $0x88, s3;
	s6 =	simm.s32 @!p1 $0x1082;
	[sflag:s4] =	ssyncset.s32 $0xFFFFF086  }
0x25: {  	[simem:s6], [sflag:s4] =	dma.local [hbm:s3], $0xF7A  }
0x26: {  	[smem:$0x3F9F] =	sst s1;
	(tag) =	ssettag s2;
	_ =	strace s9  }
0x27: {  	s1 =	sld [smem:$0x3FAF]  }
0x28: {  	s2 =	sld [smem:$0x3FB0]  }
0x29: {  	s4 =	sld [smem:$0x3FB2]  }
0x2a: {  	p0 =	seq.s32 s5, $0x0;
	s5 =	sld [smem:$0x3FB3]  }
0x2b: {  	s6 =	sld [smem:$0x3FB4]  }
0x2c: {  	s7 =	sld [smem:$0x3FB5]  }
0x2d: {  	s3 =	simm.s32 $0x108;
	s8 =	sld [smem:$0x3FB6]  }
0x2e: {  	s3 =	simm.s32 @!p0 $0x1082;
	s9 =	sld [smem:$0x3FB7]  }
0x2f: {  	lr =	sadd.s32 s0, s3;
	s0 =	sld [smem:$0x3FAE]  }
0x30: {  	s3 =	sld [smem:$0x3FB1]  }
0x31: {  	[smem:$0x3FBA] =	sst s10  }
0x32: {  	s10 =	sld [smem:$0x3FB8];
	_ =	sdelay $0x3  }
0x33: {  	p0 =	seq.s32 s10, $0x1;
	s10 =	sld [smem:$0x3FBA];
	_ =	sdelay $0x3  }
0x34: {  	[smem:$0x3FBA] =	sst s10  }
0x35: {  	s10 =	sld [smem:$0x3FB9];
	_ =	sdelay $0x3  }
0x36: {  	p1 =	seq.s32 s10, $0x1;
	s10 =	sld [smem:$0x3FBA];
	_ =	sdelay $0x3  }
0x37: {  	[smem:$0x3FBA] =	sst s10  }
0x38: {  	s10 =	sld [smem:$0x3FBB]  }
0x39: {  	_ = 	snop;
	(pc) =	sbr.ind lr, $3  }
0x3a: {  	_ = 	snop  }
0x3b: {  	_ = 	snop  }
0x3c: {  	p2 =	seq.s32 s10, $0x1;
	s10 =	sld [smem:$0x3FBA]  }
0x3d: {  	_ =	shalt  }
0x3e: {  	_ =	shalt  }
0x3f: {  	_ =	shalt  }
0x40: {  	_ =	shalt  }
0x41: {  	_ =	shalt  }
0x42: {  	_ =	shalt  }
0x43: {  	_ =	shalt  }
0x44: {  	_ =	shalt  }
0x45: {  	_ =	shalt  }
0x46: {  	_ =	shalt  }
0x47: {  	_ =	shalt  }
0x48: {  	_ =	shalt  }
0x49: {  	_ =	shalt  }
0x4a: {  	_ =	shalt  }
0x4b: {  	_ =	shalt  }
0x4c: {  	_ =	shalt  }
0x4d: {  	_ =	shalt  }
0x4e: {  	_ =	shalt  }
0x4f: {  	_ =	shalt  }
0x50: {  	_ =	shalt  }
0x51: {  	_ =	shalt  }
0x52: {  	_ =	shalt  }
0x53: {  	_ =	shalt  }
0x54: {  	_ =	shalt  }
0x55: {  	_ =	shalt  }
0x56: {  	_ =	shalt  }
0x57: {  	_ =	shalt  }
0x58: {  	_ =	shalt  }
0x59: {  	_ =	shalt  }
0x5a: {  	_ =	shalt  }
0x5b: {  	_ =	shalt  }
0x5c: {  	_ =	shalt  }
0x5d: {  	_ =	shalt  }
0x5e: {  	_ =	shalt  }
0x5f: {  	_ =	shalt  }
0x60: {  	_ =	shalt  }
0x61: {  	_ =	shalt  }
0x62: {  	_ =	shalt  }
0x63: {  	_ =	shalt  }
0x64: {  	_ =	shalt  }
0x65: {  	_ =	shalt  }
0x66: {  	_ =	shalt  }
0x67: {  	_ =	shalt  }
0x68: {  	_ =	shalt  }
0x69: {  	_ =	shalt  }
0x6a: {  	_ =	shalt  }
0x6b: {  	_ =	shalt  }
0x6c: {  	_ =	shalt  }
0x6d: {  	_ =	shalt  }
0x6e: {  	_ =	shalt  }
0x6f: {  	_ =	shalt  }
0x70: {  	_ =	shalt  }
0x71: {  	_ =	shalt  }
0x72: {  	_ =	shalt  }
0x73: {  	_ =	shalt  }
0x74: {  	_ =	shalt  }
0x75: {  	_ =	shalt  }
0x76: {  	_ =	shalt  }
0x77: {  	_ =	shalt  }
0x78: {  	_ =	shalt  }
0x79: {  	_ =	shalt  }
0x7a: {  	_ =	shalt  }
0x7b: {  	_ =	shalt  }
0x7c: {  	_ =	shalt  }
0x7d: {  	_ =	shalt  }
0x7e: {  	_ =	shalt  }
0x7f: {  	_ =	shalt  }
0x80: {  	_ =	shalt  }
0x81: {  	_ =	shalt  }
0x82: {  	_ =	shalt  }
0x83: {  	_ =	shalt  }
0x84: {  	_ =	shalt  }
0x85: {  	_ =	shalt  }
0x86: {  	_ =	shalt  }
0x87: {  	_ =	shalt  }
.Lfunc_end0:
.L_simem_size_0:
called_computation_lowered:
.L_overlay_start_0:
0x88: {  	s2 =	sld [smem:$0x3FD9]  }
0x89: {  	s3 =	sld [smem:$0x3FFE];
	_ =	sdelay $0x1  }
0x8a: {  	s1 =	srdreg.scid  }
0x8b: {  	s0 =	sand.u32 $0x1, s1  }
0x8c: {  	s17 =	sshll.u32 s0, $0xA;
	s2 =	sadd.s32 s3, s2  }
0x8d: {  	s2 =	sadd.s32 s2, s17  }
0x8e: {  	[smem:$0x3FC6] =	sst s2  }
0x8f: {  	_ = 	snop  }
0x90: {  	s2 =	sld [smem:$0x3FC8]  }
0x91: {  	s18 =	sld [smem:$0x3FD0];
	(tm) =	ssettm $0x1  }
0x92: {  	s4 =	sld [smem:$0x3FFB];
	_ =	sdelay $0x3  }
0x93: {  	_ =	strace s4  }
0x94: {  	s4 =	sld [smem:$0x3FFC];
	_ =	sdelay $0x3  }
0x95: {  	_ =	strace s4  }
0x96: {  	s4 =	sld [smem:$0x3FFD];
	_ =	sdelay $0x3  }
0x97: {  	_ =	strace s4  }
0x98: {  	_ =	strace $0x8FFFFFFF  }
0x99: {  	s19 =	sld [smem:$0x3FDB];
	_ =	sdelay $0x1  }
0x9a: {  	s5 =	simm.s32 $_scs_section_size  }
0x9b: {  	s6 =	simm.s32 $_size__tile_overlayer_lowered;
	s7 =	simm.s32 $_tile_overlayer_lowered  }
0x9c: {  	s22 =	simm.s32 $0x1BFF;
	s21 =	sshll.u32 s7, $0x1;
	s4 =	sadd.s32 s5, s19  }
0x9d: {  	s8 =	simm.s32 $0x0;
	s20 =	sshll.u32 s6, $0x1;
	s6 =	sadd.s32 s21, s4  }
0x9e: {  	[timem:s8], [sflag:s22] =	dma.local [hbm:s6], s20  }
0x9f: {  	_ =	swait.ge [sflag:s22], s20  }
0xa0: {  	s5 =	ssub.s32 $0x0, s20;
	[sflag:s22] =	ssyncset.done $0x0  }
0xa1: {  	[sflag:s22] =	ssyncadd.s32 s5;
	_ =	sdelay $0x1  }
0xa2: {  	s23 =	simm.s32 $0x1B8B  }
0xa3: {  	_ =	swait.ge [sflag:s23], $0x1  }
0xa4: {  	[sflag:s23] =	ssyncset.done $0x0  }
0xa5: {  	s25 =	simm.s32 $0x1B8E;
	s24 =	sld [smem:$0x3FFE];
	[sflag:s23] =	ssyncadd.s32 $0xFFFFFFFF  }
0xa6: {  	s26 =	simm.s32 $execute0_lowered;
	[smem:$0x3FD2] =	sst s25  }
0xa7: {  	s6 =	sshll.u32 s26, $0x1;
	_ =	strace $0x80000046;
	[dreg:$0x1] =	wrdreg $0xFFFFFFFF  }
0xa8: {  	s28 =	simm.s32 $_size_execute0_lowered;
	s4 =	sadd.s32 s4, s6;
	[dreg:$0x0] =	wrdreg $0x0  }
0xa9: {  	s6 =	sshll.u32 s28, $0x1;
	[dreg:$0x2] =	wrdreg s4  }
0xaa: {  	[dreg:$0x3] =	wrdreg s6  }
0xab: {  	[dreg:$0x4] =	wrdreg $0xC0  }
0xac: {  	_ =	task [dreg:s8], $0x5FFFF  }
0xad: {  	[dreg:$0x1] =	wrdreg $0xFFFFFFFF  }
0xae: {  	[dreg:$0x0] =	wrdreg $0x60  }
0xaf: {  	[dreg:$0x2] =	wrdreg s24  }
0xb0: {  	[dreg:$0x3] =	wrdreg s2  }
0xb1: {  	[dreg:$0x4] =	wrdreg s18  }
0xb2: {  	[dreg:$0x5] =	wrdreg $0x9  }
0xb3: {  	_ =	task.clear_ibuf [dreg:s8], $0x6FFFF;
	_ =	strace $0x90000046  }
0xb4: {  	s29 =	simm.s32 $0x9;
	_ =	strace $0x80000048  }
0xb5: {  	_ =	swait.ge [sflag:s29], $0x1  }
0xb6: {  	[sflag:s29] =	ssyncadd.s32 $0xFFFFFFFF  }
0xb7: {  	_ =	strace $0x90000048  }
0xb8: {  	_ =	sfence  }
0xb9: {  	s30 =	sld [smem:$0x0];
	_ =	sdelay $0x2  }
0xba: {  	s31 =	sshll.u32 s1, $0xD;
	s1 =	sshrl.u32 s1, $0x2  }
0xbb: {  	s3 =	sand.u32 $0x4000, s31;
	s1 =	sadd.s32 s1, s30  }
0xbc: {  	s0 =	sor.u32 s3, s0;
	s1 =	sshll.u32 s1, $0x11  }
0xbd: {  	s0 =	sor.u32 s1, s0  }
0xbe: {  	s0 =	sadd.s32 $0x8F2B, s0  }
0xbf: {  	[sflag:s0] =	ssyncadd.remote.s32 $0x1  }
0xc0: {  	_ =	sfence.sel $0xFFFF  }
0xc1: {  	[dreg:$0x0] =	wrdreg $0xFFFFFFFF;
	(pc) =	sbr.abs _section_cstart, $3  }
0xc2: {  	[dreg:$0x1] =	wrdreg $0xFFFFFFFF  }
0xc3: {  	_ =	task.clear_ibuf [dreg:s8], $0x2FFFF;
	_ =	strace $0x9FFFFFFF  }
0xc4: {  	(tm) =	ssettm $0x7FFFFFFF  }
0xc5: {  	_ =	shalt  }
tec
execute0_lowered:
.L_overlay_start_1:
0x0: {  	(tag) =	ssettag $0x1  }
0x1: {  	s0 =	rddreg [dreg:$0x0]  }
0x2: {  	s1 =	rddreg [dreg:$0x1]  }
0x3: {  	s7 =	rddreg [dreg:$0x2];
	s2 =	simm.s32 $0x0;
	s3 =	srdreg.scid  }
0x4: {  	s5 =	stileid.u32;
	s30 =	simm.s32 $0x12C80;
	[smem:$0x7FF] =	sst s2  }
0x5: {  	s0 =	sadd.s32 $0x400, s0;
	s3 =	sand.u32 $0x1, s3;
	s5 =	sshll.u32 s5, $0x9  }
0x6: {  	_ =	strace $0x80000047;
	s4 =	ssub.s32 $0x2, s3;
	s3 =	sshll.u32 s3, $0x8  }
0x7: {  	[dreg:$0x4] =	wrdreg s0;
	s6 =	sshrl.u32 s4, $0x1;
	s0 =	sor.u32 s3, s5  }
0x8: {  	s5 =	sadd.s32 $0x200, s1;
	s8 =	ssub.s32 s4, s6;
	s20 =	sor.u32 $0x10, s0  }
0x9: {  	s12 =	sor.u32 $0x20, s0;
	s13 =	sor.u32 $0x30, s0;
	s4 =	sadd.s32 $0x100, s1  }
0xa: {  	s6 =	sadd.s32 $0x300, s1;
	s3 =	sor.u32 $0x38, s0;
	s9 =	sshll.u32 s0, $0x7  }
0xb: {  	s15 =	sor.u32 $0x48, s0;
	s16 =	sor.u32 $0x58, s0;
	s18 =	sor.u32 $0x68, s0  }
0xc: {  	s25 =	sor.u32 $0x70, s0;
	s17 =	sor.u32 $0x80, s0;
	s11 =	sor.u32 $0xA0, s0  }
0xd: {  	s28 =	sor.u32 $0xA8, s0;
	s14 =	sor.u32 $0xB8, s0;
	s26 =	sor.u32 $0xE0, s0  }
0xe: {  	s31 =	sor.u32 $0xC8, s0;
	s29 =	sor.u32 $0xD8, s0;
	s24 =	sor.u32 $0xF0, s0  }
0xf: {  	v20 =	vlaneseq.u32;
	s9 =	sadd.s32 s7, s9;
	s19 =	sshll.u32 s3, $0x7;
	s21 =	sshll.u32 s25, $0x7  }
0x10: {  	s10 =	sshll.u32 s28, $0x7;
	s23 =	sshll.u32 s26, $0x7;
	v15 =	vadd.s32 s29, v20;
	s29 =	simm.s32 $0x1  }
0x11: {  	v4 =	vadd.s32 s3, v20;
	v9 =	vor.u32 s17, v20;
	v14 =	vadd.s32 s31, v20;
	s31 =	simm.s32 $0x2;
	s3 =	simm.s32 $0x480;
	s17 =	simm.s32 $0x8480  }
0x12: {  	v8 =	vor.u32 s25, v20;
	v12 =	vadd.s32 s28, v20;
	v16 =	vor.u32 s26, v20;
	s25 =	simm.s32 $0x8C80;
	s26 =	simm.s32 $0x9480;
	s28 =	simm.s32 $0x9C80  }
0x13: {  	v2 =	vor.u32 s12, v20;
	v3 =	vor.u32 s13, v20;
	v11 =	vor.u32 s11, v20;
	s11 =	simm.s32 $0xBC80;
	s12 =	simm.s32 $0xC480;
	s13 =	simm.s32 $0xCC80  }
0x14: {  	v5 =	vadd.s32 s15, v20;
	v6 =	vadd.s32 s16, v20;
	v13 =	vadd.s32 s14, v20;
	s14 =	simm.s32 $0xD480;
	s15 =	simm.s32 $0xDC80;
	s16 =	simm.s32 $0xE480  }
0x15: {  	v1 =	vor.u32 s20, v20;
	v7 =	vadd.s32 s18, v20;
	v17 =	vor.u32 s24, v20;
	s18 =	simm.s32 $0xF480;
	s20 =	simm.s32 $0x10480;
	s24 =	simm.s32 $0x12480  }
0x16: {  	[dreg:$0x5] =	wrdreg s9;
	s9 =	sadd.s32 s7, s19;
	s19 =	sor.u32 $0x90, s0  }
0x17: {  	s22 =	sadd.s32 s7, s10;
	s10 =	simm.s32 $0xAC80;
	[dreg:$0x6] =	wrdreg s9  }
0x18: {  	s9 =	sadd.s32 s7, s21;
	[dreg:$0x8] =	wrdreg s22;
	s7 =	sadd.s32 s7, s23  }
0x19: {  	v10 =	vor.u32 s19, v20;
	s19 =	simm.s32 $0xFC80;
	s21 =	simm.s32 $0x10C80;
	[dreg:$0x7] =	wrdreg s9  }
0x1a: {  	vm0 =	vmmov $0xffff;
	v18 =	vand.u32 $0x7, v20;
	v19 =	vshrl.u32 v20, $0x3;
	s22 =	simm.s32 $0x11480;
	s23 =	simm.s32 $0x11C80;
	[dreg:$0x9] =	wrdreg s7  }
0x1b: {  	v19 =	vmul.u32 $0x8, v19;
	v0 =	vor.u32 s0, v20;
	v20 =	vor.u32 $0x8, v20;
	s7 =	smax.u32 s8, $0x1;
	s8 =	simm.s32 $0xA480;
	s9 =	simm.s32 $0xB480  }
.LBB2_1:
0x1c: {  	s0 =	rddreg [dreg:$0x4]  }
0x1d: {  	[tilespmem:s2], [sflag:$0x3] =	stream.linear.gather [hbm4b:s0+s2], $0x80, $0x38;
	[tilespmem:$0x1C480] =	vst v63  }
0x1e: {  	s0 =	simm.s32 $0x3  }
0x1f: {  	_ =	swait.ge [sflag:s0], $0x80  }
0x20: {  	[sflag:s0] =	ssyncset.done $0x0  }
0x21: {  	[sflag:s0] =	ssyncadd.s32 $0xFFFFFF80  }
0x22: {  	v21 =	vld [tilespmem:$0x0];
	_ =	sdelay $0x4  }
0x23: {  	vm1 =	vlt.s32 v0, v21  }
0x24: {  	v22 =	vsel vm1, v0, v21  }
0x25: {  	v23 =	vshll.u32 v22, $0x3  }
0x26: {  	v24 =	vand.u32 $0x7, v22;
	v23 =	vand.u32 $0xFFFFFFC0, v23  }
0x27: {  	v23 =	vor.u32 v24, v23  }
0x28: {  	v24 =	vperm.xlane v23, v18;
	_ =	sdelay $0x1  }
0x29: {  	vm1 =	vlt.s32 v1, v21;
	v24 =	vadd.s32 v19, v24  }
0x2a: {  	[tilespmem:$0x80] =	vst v22;
	v22 =	vsel vm1, v1, v21;
	vm1 =	vlt.s32 v2, v21  }
0x2b: {  	[tilespmem:$0x90] =	vst v22;
	v22 =	vsel vm1, v2, v21;
	vm1 =	vlt.s32 v3, v21  }
0x2c: {  	[tilespmem:$0xA0] =	vst v22;
	v22 =	vsel vm1, v3, v21  }
0x2d: {  	[tilespmem:$0xB0] =	vst v22  }
0x2e: {  	[tilespmem:s3], [sflag:$0x1] =	stream.indirect_vreg.gather [hbm4b:s1+s2], $0x80, v24, vm0, $0xb8;
	[tilespmem:$0x1C480] =	vst v63  }
0x2f: {  	s0 =	simm.s32 $0xC80;
	v22 =	vperm.xlane v23, v20  }
0x30: {  	[tilespmem:s0], [sflag:$0x1] =	stream.indirect_vreg.gather [hbm4b:s4+s2], $0x80, v24, vm0, $0xb8;
	[tilespmem:$0x1C480] =	vst v63  }
0x31: {  	v22 =	vadd.s32 v19, v22;
	s0 =	simm.s32 $0x1480  }
0x32: {  	[tilespmem:s0], [sflag:$0x1] =	stream.indirect_vreg.gather [hbm4b:s5+s2], $0x80, v24, vm0, $0xb8;
	[tilespmem:$0x1C480] =	vst v63  }
0x33: {  	s0 =	simm.s32 $0x1C80  }
0x34: {  	[tilespmem:s0], [sflag:$0x1] =	stream.indirect_vreg.gather [hbm4b:s6+s2], $0x80, v24, vm0, $0xb8;
	[tilespmem:$0x1C480] =	vst v63  }
0x35: {  	s0 =	simm.s32 $0x2480  }
0x36: {  	[tilespmem:s0], [sflag:$0x1] =	stream.indirect_vreg.gather [hbm4b:s1+s2], $0x80, v22, vm0, $0xb8;
	[tilespmem:$0x1C480] =	vst v63  }
0x37: {  	s0 =	simm.s32 $0x2C80  }
0x38: {  	[tilespmem:s0], [sflag:$0x1] =	stream.indirect_vreg.gather [hbm4b:s4+s2], $0x80, v22, vm0, $0xb8;
	[tilespmem:$0x1C480] =	vst v63  }
0x39: {  	s0 =	simm.s32 $0x3480  }
0x3a: {  	[tilespmem:s0], [sflag:$0x1] =	stream.indirect_vreg.gather [hbm4b:s5+s2], $0x80, v22, vm0, $0xb8;
	[tilespmem:$0x1C480] =	vst v63  }
0x3b: {  	s0 =	simm.s32 $0x3C80  }
0x3c: {  	[tilespmem:s0], [sflag:$0x1] =	stream.indirect_vreg.gather [hbm4b:s6+s2], $0x80, v22, vm0, $0xb8;
	[tilespmem:$0x1C480] =	vst v63  }
0x3d: {  	v22 =	vld [tilespmem:$0x90];
	_ =	sdelay $0x4  }
0x3e: {  	v23 =	vshll.u32 v22, $0x3  }
0x3f: {  	v22 =	vand.u32 $0x7, v22;
	v23 =	vand.u32 $0xFFFFFFC0, v23  }
0x40: {  	v22 =	vor.u32 v22, v23  }
0x41: {  	v23 =	vperm.xlane v22, v18;
	_ =	sdelay $0x1  }
0x42: {  	v23 =	vadd.s32 v19, v23;
	_ =	sdelay $0x3  }
0x43: {  	s0 =	simm.s32 $0x4480  }
0x44: {  	[tilespmem:s0], [sflag:$0x1] =	stream.indirect_vreg.gather [hbm4b:s1+s2], $0x80, v23, vm0, $0xb8;
	[tilespmem:$0x1C480] =	vst v63  }
0x45: {  	v22 =	vperm.xlane v22, v20;
	s0 =	simm.s32 $0x4C80  }
0x46: {  	[tilespmem:s0], [sflag:$0x1] =	stream.indirect_vreg.gather [hbm4b:s4+s2], $0x80, v23, vm0, $0xb8;
	[tilespmem:$0x1C480] =	vst v63  }
0x47: {  	v22 =	vadd.s32 v19, v22;
	s0 =	simm.s32 $0x5480  }
0x48: {  	[tilespmem:s0], [sflag:$0x1] =	stream.indirect_vreg.gather [hbm4b:s5+s2], $0x80, v23, vm0, $0xb8;
	[tilespmem:$0x1C480] =	vst v63  }
0x49: {  	s0 =	simm.s32 $0x5C80  }
0x4a: {  	[tilespmem:s0], [sflag:$0x1] =	stream.indirect_vreg.gather [hbm4b:s6+s2], $0x80, v23, vm0, $0xb8;
	[tilespmem:$0x1C480] =	vst v63  }
0x4b: {  	s0 =	simm.s32 $0x6480  }
0x4c: {  	[tilespmem:s0], [sflag:$0x1] =	stream.indirect_vreg.gather [hbm4b:s1+s2], $0x80, v22, vm0, $0xb8;
	[tilespmem:$0x1C480] =	vst v63  }
0x4d: {  	s0 =	simm.s32 $0x6C80  }
0x4e: {  	[tilespmem:s0], [sflag:$0x1] =	stream.indirect_vreg.gather [hbm4b:s4+s2], $0x80, v22, vm0, $0xb8;
	[tilespmem:$0x1C480] =	vst v63  }
0x4f: {  	s0 =	simm.s32 $0x7480  }
0x50: {  	[tilespmem:s0], [sflag:$0x1] =	stream.indirect_vreg.gather [hbm4b:s5+s2], $0x80, v22, vm0, $0xb8;
	[tilespmem:$0x1C480] =	vst v63  }
0x51: {  	s0 =	simm.s32 $0x7C80  }
0x52: {  	[tilespmem:s0], [sflag:$0x1] =	stream.indirect_vreg.gather [hbm4b:s6+s2], $0x80, v22, vm0, $0xb8;
	[tilespmem:$0x1C480] =	vst v63  }
0x53: {  	v22 =	vld [tilespmem:$0xA0];
	_ =	sdelay $0x4  }
0x54: {  	v23 =	vshll.u32 v22, $0x3  }
0x55: {  	v22 =	vand.u32 $0x7, v22;
	v23 =	vand.u32 $0xFFFFFFC0, v23  }
0x56: {  	v22 =	vor.u32 v22, v23  }
0x57: {  	v23 =	vperm.xlane v22, v18;
	_ =	sdelay $0x1  }
0x58: {  	v23 =	vadd.s32 v19, v23;
	_ =	sdelay $0x4  }
0x59: {  	[tilespmem:s17], [sflag:$0x1] =	stream.indirect_vreg.gather [hbm4b:s1+s2], $0x80, v23, vm0, $0xb8;
	[tilespmem:$0x1C480] =	vst v63  }
0x5a: {  	v22 =	vperm.xlane v22, v20  }
0x5b: {  	[tilespmem:s25], [sflag:$0x1] =	stream.indirect_vreg.gather [hbm4b:s4+s2], $0x80, v23, vm0, $0xb8;
	[tilespmem:$0x1C480] =	vst v63  }
0x5c: {  	v22 =	vadd.s32 v19, v22  }
0x5d: {  	[tilespmem:s26], [sflag:$0x1] =	stream.indirect_vreg.gather [hbm4b:s5+s2], $0x80, v23, vm0, $0xb8;
	[tilespmem:$0x1C480] =	vst v63  }
0x5e: {  	_ = 	snop  }
0x5f: {  	[tilespmem:s28], [sflag:$0x1] =	stream.indirect_vreg.gather [hbm4b:s6+s2], $0x80, v23, vm0, $0xb8;
	[tilespmem:$0x1C480] =	vst v63  }
0x60: {  	_ = 	snop  }
0x61: {  	[tilespmem:s8], [sflag:$0x1] =	stream.indirect_vreg.gather [hbm4b:s1+s2], $0x80, v22, vm0, $0xb8;
	[tilespmem:$0x1C480] =	vst v63  }
0x62: {  	_ = 	snop  }
0x63: {  	[tilespmem:s10], [sflag:$0x1] =	stream.indirect_vreg.gather [hbm4b:s4+s2], $0x80, v22, vm0, $0xb8;
	[tilespmem:$0x1C480] =	vst v63  }
0x64: {  	_ = 	snop  }
0x65: {  	[tilespmem:s9], [sflag:$0x1] =	stream.indirect_vreg.gather [hbm4b:s5+s2], $0x80, v22, vm0, $0xb8;
	[tilespmem:$0x1C480] =	vst v63  }
0x66: {  	_ = 	snop  }
0x67: {  	[tilespmem:s11], [sflag:$0x1] =	stream.indirect_vreg.gather [hbm4b:s6+s2], $0x80, v22, vm0, $0xb8;
	[tilespmem:$0x1C480] =	vst v63  }
0x68: {  	v22 =	vld.msk [tilespmem:$0xB0], $0xff;
	_ =	sdelay $0x4  }
0x69: {  	v23 =	vshll.u32 v22, $0x3  }
0x6a: {  	v22 =	vand.u32 $0x7, v22;
	v23 =	vand.u32 $0xFFFFFFC0, v23  }
0x6b: {  	v22 =	vor.u32 v22, v23  }
0x6c: {  	v22 =	vperm.xlane v22, v18;
	_ =	sdelay $0x1  }
0x6d: {  	v22 =	vadd.s32 v19, v22;
	_ =	sdelay $0x3  }
0x6e: {  	vm1 =	vlt.s32 v4, v21  }
0x6f: {  	v23 =	vsel vm1, v4, v21;
	[tilespmem:s12], [sflag:$0x1] =	stream.indirect_vreg.gather [hbm4b:s1+s2], $0x80, v22, vm0, $0xb8;
	[tilespmem:$0x1C480] =	vst v63  }
0x70: {  	v60 =	vshll.u32 v23, $0x3  }
0x71: {  	v25 =	vand.u32 $0x7, v23;
	v24 =	vand.u32 $0xFFFFFFC0, v60;
	[tilespmem:s13], [sflag:$0x1] =	stream.indirect_vreg.gather [hbm4b:s4+s2], $0x80, v22, vm0, $0xb8;
	[tilespmem:$0x1C480] =	vst v63  }
0x72: {  	v24 =	vor.u32 v25, v24  }
0x73: {  	v25 =	vperm.xlane v24, v18;
	[tilespmem:s14], [sflag:$0x1] =	stream.indirect_vreg.gather [hbm4b:s5+s2], $0x80, v22, vm0, $0xb8;
	[tilespmem:$0x1C480] =	vst v63  }
0x74: {  	_ = 	snop  }
0x75: {  	vm1 =	vlt.s32 v5, v21;
	[tilespmem:s15], [sflag:$0x1] =	stream.indirect_vreg.gather [hbm4b:s6+s2], $0x80, v22, vm0, $0xb8;
	v22 =	vadd.s32 v19, v25;
	[tilespmem:$0x1C480] =	vst v63  }
0x76: {  	[tilespmem:$0x100] =	vst v23;
	v23 =	vsel vm1, v5, v21;
	vm1 =	vlt.s32 v6, v21  }
0x77: {  	[tilespmem:$0x110] =	vst v23;
	v23 =	vsel vm1, v6, v21;
	vm1 =	vlt.s32 v7, v21  }
0x78: {  	[tilespmem:$0x120] =	vst v23;
	v23 =	vsel vm1, v7, v21  }
0x79: {  	[tilespmem:$0x130] =	vst v23  }
0x7a: {  	[tilespmem:s16], [sflag:$0x1] =	stream.indirect_vreg.gather [hbm4b:s1+s2], $0x80, v22, vm0, $0xb8;
	[tilespmem:$0x1C480] =	vst v63  }
0x7b: {  	s0 =	simm.s32 $0xEC80;
	v23 =	vperm.xlane v24, v20  }
0x7c: {  	[tilespmem:s0], [sflag:$0x1] =	stream.indirect_vreg.gather [hbm4b:s4+s2], $0x80, v22, vm0, $0xb8;
	[tilespmem:$0x1C480] =	vst v63  }
0x7d: {  	v23 =	vadd.s32 v19, v23  }
0x7e: {  	[tilespmem:s18], [sflag:$0x1] =	stream.indirect_vreg.gather [hbm4b:s5+s2], $0x80, v22, vm0, $0xb8;
	[tilespmem:$0x1C480] =	vst v63  }
0x7f: {  	_ = 	snop  }
0x80: {  	[tilespmem:s19], [sflag:$0x1] =	stream.indirect_vreg.gather [hbm4b:s6+s2], $0x80, v22, vm0, $0xb8;
	[tilespmem:$0x1C480] =	vst v63  }
0x81: {  	_ = 	snop  }
0x82: {  	[tilespmem:s20], [sflag:$0x1] =	stream.indirect_vreg.gather [hbm4b:s1+s2], $0x80, v23, vm0, $0xb8;
	[tilespmem:$0x1C480] =	vst v63  }
0x83: {  	_ = 	snop  }
0x84: {  	[tilespmem:s21], [sflag:$0x1] =	stream.indirect_vreg.gather [hbm4b:s4+s2], $0x80, v23, vm0, $0xb8;
	[tilespmem:$0x1C480] =	vst v63  }
0x85: {  	_ = 	snop  }
0x86: {  	[tilespmem:s22], [sflag:$0x1] =	stream.indirect_vreg.gather [hbm4b:s5+s2], $0x80, v23, vm0, $0xb8;
	[tilespmem:$0x1C480] =	vst v63  }
0x87: {  	_ = 	snop  }
0x88: {  	[tilespmem:s23], [sflag:$0x1] =	stream.indirect_vreg.gather [hbm4b:s6+s2], $0x80, v23, vm0, $0xb8;
	[tilespmem:$0x1C480] =	vst v63  }
0x89: {  	v22 =	vld [tilespmem:$0x110];
	_ =	sdelay $0x4  }
0x8a: {  	v23 =	vshll.u32 v22, $0x3  }
0x8b: {  	v22 =	vand.u32 $0x7, v22;
	v23 =	vand.u32 $0xFFFFFFC0, v23  }
0x8c: {  	v22 =	vor.u32 v22, v23  }
0x8d: {  	v23 =	vperm.xlane v22, v18;
	_ =	sdelay $0x1  }
0x8e: {  	v23 =	vadd.s32 v19, v23;
	_ =	sdelay $0x4  }
0x8f: {  	[tilespmem:s24], [sflag:$0x1] =	stream.indirect_vreg.gather [hbm4b:s1+s2], $0x80, v23, vm0, $0xb8;
	[tilespmem:$0x1C480] =	vst v63  }
0x90: {  	v22 =	vperm.xlane v22, v20  }
0x91: {  	[tilespmem:s30], [sflag:$0x1] =	stream.indirect_vreg.gather [hbm4b:s4+s2], $0x80, v23, vm0, $0xb8;
	[tilespmem:$0x1C480] =	vst v63  }
0x92: {  	s0 =	simm.s32 $0x13480;
	v22 =	vadd.s32 v19, v22  }
0x93: {  	[tilespmem:s0], [sflag:$0x1] =	stream.indirect_vreg.gather [hbm4b:s5+s2], $0x80, v23, vm0, $0xb8;
	[tilespmem:$0x1C480] =	vst v63  }
0x94: {  	s0 =	simm.s32 $0x13C80  }
0x95: {  	[tilespmem:s0], [sflag:$0x1] =	stream.indirect_vreg.gather [hbm4b:s6+s2], $0x80, v23, vm0, $0xb8;
	[tilespmem:$0x1C480] =	vst v63  }
0x96: {  	s0 =	simm.s32 $0x14480  }
0x97: {  	[tilespmem:s0], [sflag:$0x1] =	stream.indirect_vreg.gather [hbm4b:s1+s2], $0x80, v22, vm0, $0xb8;
	[tilespmem:$0x1C480] =	vst v63  }
0x98: {  	s0 =	simm.s32 $0x14C80  }
0x99: {  	[tilespmem:s0], [sflag:$0x1] =	stream.indirect_vreg.gather [hbm4b:s4+s2], $0x80, v22, vm0, $0xb8;
	[tilespmem:$0x1C480] =	vst v63  }
0x9a: {  	s0 =	simm.s32 $0x15480  }
0x9b: {  	[tilespmem:s0], [sflag:$0x1] =	stream.indirect_vreg.gather [hbm4b:s5+s2], $0x80, v22, vm0, $0xb8;
	[tilespmem:$0x1C480] =	vst v63  }
0x9c: {  	s0 =	simm.s32 $0x15C80  }
0x9d: {  	[tilespmem:s0], [sflag:$0x1] =	stream.indirect_vreg.gather [hbm4b:s6+s2], $0x80, v22, vm0, $0xb8;
	[tilespmem:$0x1C480] =	vst v63  }
0x9e: {  	v22 =	vld [tilespmem:$0x120];
	_ =	sdelay $0x4  }
0x9f: {  	v23 =	vshll.u32 v22, $0x3  }
0xa0: {  	v22 =	vand.u32 $0x7, v22;
	v23 =	vand.u32 $0xFFFFFFC0, v23  }
0xa1: {  	v22 =	vor.u32 v22, v23  }
0xa2: {  	v23 =	vperm.xlane v22, v18;
	_ =	sdelay $0x1  }
0xa3: {  	v23 =	vadd.s32 v19, v23;
	_ =	sdelay $0x3  }
0xa4: {  	s0 =	simm.s32 $0x16480  }
0xa5: {  	[tilespmem:s0], [sflag:$0x1] =	stream.indirect_vreg.gather [hbm4b:s1+s2], $0x80, v23, vm0, $0xb8;
	[tilespmem:$0x1C480] =	vst v63  }
0xa6: {  	v22 =	vperm.xlane v22, v20;
	s0 =	simm.s32 $0x16C80  }
0xa7: {  	[tilespmem:s0], [sflag:$0x1] =	stream.indirect_vreg.gather [hbm4b:s4+s2], $0x80, v23, vm0, $0xb8;
	[tilespmem:$0x1C480] =	vst v63  }
0xa8: {  	v22 =	vadd.s32 v19, v22;
	s0 =	simm.s32 $0x17480  }
0xa9: {  	[tilespmem:s0], [sflag:$0x1] =	stream.indirect_vreg.gather [hbm4b:s5+s2], $0x80, v23, vm0, $0xb8;
	[tilespmem:$0x1C480] =	vst v63  }
0xaa: {  	s0 =	simm.s32 $0x17C80  }
0xab: {  	[tilespmem:s0], [sflag:$0x1] =	stream.indirect_vreg.gather [hbm4b:s6+s2], $0x80, v23, vm0, $0xb8;
	[tilespmem:$0x1C480] =	vst v63  }
0xac: {  	s0 =	simm.s32 $0x18480  }
0xad: {  	[tilespmem:s0], [sflag:$0x1] =	stream.indirect_vreg.gather [hbm4b:s1+s2], $0x80, v22, vm0, $0xb8;
	[tilespmem:$0x1C480] =	vst v63  }
0xae: {  	s0 =	simm.s32 $0x18C80  }
0xaf: {  	[tilespmem:s0], [sflag:$0x1] =	stream.indirect_vreg.gather [hbm4b:s4+s2], $0x80, v22, vm0, $0xb8;
	[tilespmem:$0x1C480] =	vst v63  }
0xb0: {  	s0 =	simm.s32 $0x19480  }
0xb1: {  	[tilespmem:s0], [sflag:$0x1] =	stream.indirect_vreg.gather [hbm4b:s5+s2], $0x80, v22, vm0, $0xb8;
	[tilespmem:$0x1C480] =	vst v63  }
0xb2: {  	s0 =	simm.s32 $0x19C80  }
0xb3: {  	[tilespmem:s0], [sflag:$0x1] =	stream.indirect_vreg.gather [hbm4b:s6+s2], $0x80, v22, vm0, $0xb8;
	[tilespmem:$0x1C480] =	vst v63  }
0xb4: {  	v22 =	vld.msk [tilespmem:$0x130], $0xff;
	_ =	sdelay $0x4  }
0xb5: {  	v23 =	vshll.u32 v22, $0x3  }
0xb6: {  	v22 =	vand.u32 $0x7, v22;
	v23 =	vand.u32 $0xFFFFFFC0, v23  }
0xb7: {  	v22 =	vor.u32 v22, v23  }
0xb8: {  	v22 =	vperm.xlane v22, v18;
	_ =	sdelay $0x1  }
0xb9: {  	v22 =	vadd.s32 v19, v22;
	_ =	sdelay $0x3  }
0xba: {  	s0 =	simm.s32 $0x1A480  }
0xbb: {  	[tilespmem:s0], [sflag:$0x1] =	stream.indirect_vreg.gather [hbm4b:s1+s2], $0x80, v22, vm0, $0xb8;
	[tilespmem:$0x1C480] =	vst v63  }
0xbc: {  	s0 =	simm.s32 $0x1AC80  }
0xbd: {  	[tilespmem:s0], [sflag:$0x1] =	stream.indirect_vreg.gather [hbm4b:s4+s2], $0x80, v22, vm0, $0xb8;
	[tilespmem:$0x1C480] =	vst v63  }
0xbe: {  	s0 =	simm.s32 $0x1B480  }
0xbf: {  	[tilespmem:s0], [sflag:$0x1] =	stream.indirect_vreg.gather [hbm4b:s5+s2], $0x80, v22, vm0, $0xb8;
	[tilespmem:$0x1C480] =	vst v63  }
0xc0: {  	s0 =	simm.s32 $0x1BC80  }
0xc1: {  	vm1 =	vlt.s32 v8, v21;
	[tilespmem:s0], [sflag:$0x1] =	stream.indirect_vreg.gather [hbm4b:s6+s2], $0x80, v22, vm0, $0xb8;
	[tilespmem:$0x1C480] =	vst v63  }
0xc2: {  	v22 =	vsel vm1, v8, v21;
	_ =	swait.ge [sflag:s29], $0xE000  }
0xc3: {  	v23 =	vshll.u32 v22, $0x3;
	[sflag:s29] =	ssyncset.done $0x0  }
0xc4: {  	v61 =	vand.u32 $0x7, v22;
	s0 =	rddreg [dreg:$0x5];
	v23 =	vand.u32 $0xFFFFFFC0, v23;
	[sflag:s29] =	ssyncadd.s32 $0xFFFF2000  }
0xc5: {  	v23 =	vor.u32 v61, v23;
	[hbm4b:s0+s2] =	stream.linear.scatter [tilespmem:s3], [sflag:$0x2], $0xE000, $0x38;
	[tilespmem:$0x1C480] =	vst v63  }
0xc6: {  	v24 =	vperm.xlane v23, v18;
	_ =	swait.ge [sflag:s31], $0xE000  }
0xc7: {  	[sflag:s31] =	ssyncset.done $0x0  }
0xc8: {  	vm1 =	vlt.s32 v9, v21;
	v24 =	vadd.s32 v19, v24;
	[sflag:s31] =	ssyncadd.s32 $0xFFFF2000  }
0xc9: {  	[tilespmem:$0x180] =	vst v22;
	v22 =	vsel vm1, v9, v21;
	vm1 =	vlt.s32 v10, v21  }
0xca: {  	[tilespmem:$0x190] =	vst v22;
	v22 =	vsel vm1, v10, v21;
	vm1 =	vlt.s32 v11, v21  }
0xcb: {  	[tilespmem:$0x1A0] =	vst v22;
	v22 =	vsel vm1, v11, v21  }
0xcc: {  	[tilespmem:$0x1B0] =	vst v22  }
0xcd: {  	[tilespmem:s3], [sflag:$0x1] =	stream.indirect_vreg.gather [hbm4b:s1+s2], $0x80, v24, vm0, $0xb8;
	[tilespmem:$0x1C480] =	vst v63  }
0xce: {  	s0 =	simm.s32 $0xC80;
	v22 =	vperm.xlane v23, v20  }
0xcf: {  	[tilespmem:s0], [sflag:$0x1] =	stream.indirect_vreg.gather [hbm4b:s4+s2], $0x80, v24, vm0, $0xb8;
	[tilespmem:$0x1C480] =	vst v63  }
0xd0: {  	v22 =	vadd.s32 v19, v22;
	s0 =	simm.s32 $0x1480  }
0xd1: {  	[tilespmem:s0], [sflag:$0x1] =	stream.indirect_vreg.gather [hbm4b:s5+s2], $0x80, v24, vm0, $0xb8;
	[tilespmem:$0x1C480] =	vst v63  }
0xd2: {  	s0 =	simm.s32 $0x1C80  }
0xd3: {  	[tilespmem:s0], [sflag:$0x1] =	stream.indirect_vreg.gather [hbm4b:s6+s2], $0x80, v24, vm0, $0xb8;
	[tilespmem:$0x1C480] =	vst v63  }
0xd4: {  	s0 =	simm.s32 $0x2480  }
0xd5: {  	[tilespmem:s0], [sflag:$0x1] =	stream.indirect_vreg.gather [hbm4b:s1+s2], $0x80, v22, vm0, $0xb8;
	[tilespmem:$0x1C480] =	vst v63  }
0xd6: {  	s0 =	simm.s32 $0x2C80  }
0xd7: {  	[tilespmem:s0], [sflag:$0x1] =	stream.indirect_vreg.gather [hbm4b:s4+s2], $0x80, v22, vm0, $0xb8;
	[tilespmem:$0x1C480] =	vst v63  }
0xd8: {  	s0 =	simm.s32 $0x3480  }
0xd9: {  	[tilespmem:s0], [sflag:$0x1] =	stream.indirect_vreg.gather [hbm4b:s5+s2], $0x80, v22, vm0, $0xb8;
	[tilespmem:$0x1C480] =	vst v63  }
0xda: {  	s0 =	simm.s32 $0x3C80  }
0xdb: {  	[tilespmem:s0], [sflag:$0x1] =	stream.indirect_vreg.gather [hbm4b:s6+s2], $0x80, v22, vm0, $0xb8;
	[tilespmem:$0x1C480] =	vst v63  }
0xdc: {  	v22 =	vld [tilespmem:$0x190];
	_ =	sdelay $0x4  }
0xdd: {  	v23 =	vshll.u32 v22, $0x3  }
0xde: {  	v22 =	vand.u32 $0x7, v22;
	v23 =	vand.u32 $0xFFFFFFC0, v23  }
0xdf: {  	v22 =	vor.u32 v22, v23  }
0xe0: {  	v23 =	vperm.xlane v22, v18;
	_ =	sdelay $0x1  }
0xe1: {  	v23 =	vadd.s32 v19, v23;
	_ =	sdelay $0x3  }
0xe2: {  	s0 =	simm.s32 $0x4480  }
0xe3: {  	[tilespmem:s0], [sflag:$0x1] =	stream.indirect_vreg.gather [hbm4b:s1+s2], $0x80, v23, vm0, $0xb8;
	[tilespmem:$0x1C480] =	vst v63  }
0xe4: {  	v22 =	vperm.xlane v22, v20;
	s0 =	simm.s32 $0x4C80  }
0xe5: {  	[tilespmem:s0], [sflag:$0x1] =	stream.indirect_vreg.gather [hbm4b:s4+s2], $0x80, v23, vm0, $0xb8;
	[tilespmem:$0x1C480] =	vst v63  }
0xe6: {  	v22 =	vadd.s32 v19, v22;
	s0 =	simm.s32 $0x5480  }
0xe7: {  	[tilespmem:s0], [sflag:$0x1] =	stream.indirect_vreg.gather [hbm4b:s5+s2], $0x80, v23, vm0, $0xb8;
	[tilespmem:$0x1C480] =	vst v63  }
0xe8: {  	s0 =	simm.s32 $0x5C80  }
0xe9: {  	[tilespmem:s0], [sflag:$0x1] =	stream.indirect_vreg.gather [hbm4b:s6+s2], $0x80, v23, vm0, $0xb8;
	[tilespmem:$0x1C480] =	vst v63  }
0xea: {  	s0 =	simm.s32 $0x6480  }
0xeb: {  	[tilespmem:s0], [sflag:$0x1] =	stream.indirect_vreg.gather [hbm4b:s1+s2], $0x80, v22, vm0, $0xb8;
	[tilespmem:$0x1C480] =	vst v63  }
0xec: {  	s0 =	simm.s32 $0x6C80  }
0xed: {  	[tilespmem:s0], [sflag:$0x1] =	stream.indirect_vreg.gather [hbm4b:s4+s2], $0x80, v22, vm0, $0xb8;
	[tilespmem:$0x1C480] =	vst v63  }
0xee: {  	s0 =	simm.s32 $0x7480  }
0xef: {  	[tilespmem:s0], [sflag:$0x1] =	stream.indirect_vreg.gather [hbm4b:s5+s2], $0x80, v22, vm0, $0xb8;
	[tilespmem:$0x1C480] =	vst v63  }
0xf0: {  	s0 =	simm.s32 $0x7C80  }
0xf1: {  	[tilespmem:s0], [sflag:$0x1] =	stream.indirect_vreg.gather [hbm4b:s6+s2], $0x80, v22, vm0, $0xb8;
	[tilespmem:$0x1C480] =	vst v63  }
0xf2: {  	v22 =	vld [tilespmem:$0x1A0];
	_ =	sdelay $0x4  }
0xf3: {  	v23 =	vshll.u32 v22, $0x3  }
0xf4: {  	v22 =	vand.u32 $0x7, v22;
	v23 =	vand.u32 $0xFFFFFFC0, v23  }
0xf5: {  	v22 =	vor.u32 v22, v23  }
0xf6: {  	v23 =	vperm.xlane v22, v18;
	_ =	sdelay $0x1  }
0xf7: {  	v23 =	vadd.s32 v19, v23;
	_ =	sdelay $0x4  }
0xf8: {  	[tilespmem:s17], [sflag:$0x1] =	stream.indirect_vreg.gather [hbm4b:s1+s2], $0x80, v23, vm0, $0xb8;
	[tilespmem:$0x1C480] =	vst v63  }
0xf9: {  	v22 =	vperm.xlane v22, v20  }
0xfa: {  	[tilespmem:s25], [sflag:$0x1] =	stream.indirect_vreg.gather [hbm4b:s4+s2], $0x80, v23, vm0, $0xb8;
	[tilespmem:$0x1C480] =	vst v63  }
0xfb: {  	v22 =	vadd.s32 v19, v22  }
0xfc: {  	[tilespmem:s26], [sflag:$0x1] =	stream.indirect_vreg.gather [hbm4b:s5+s2], $0x80, v23, vm0, $0xb8;
	[tilespmem:$0x1C480] =	vst v63  }
0xfd: {  	_ = 	snop  }
0xfe: {  	[tilespmem:s28], [sflag:$0x1] =	stream.indirect_vreg.gather [hbm4b:s6+s2], $0x80, v23, vm0, $0xb8;
	[tilespmem:$0x1C480] =	vst v63  }
0xff: {  	_ = 	snop  }
0x100: {  	[tilespmem:s8], [sflag:$0x1] =	stream.indirect_vreg.gather [hbm4b:s1+s2], $0x80, v22, vm0, $0xb8;
	[tilespmem:$0x1C480] =	vst v63  }
0x101: {  	_ = 	snop  }
0x102: {  	[tilespmem:s10], [sflag:$0x1] =	stream.indirect_vreg.gather [hbm4b:s4+s2], $0x80, v22, vm0, $0xb8;
	[tilespmem:$0x1C480] =	vst v63  }
0x103: {  	_ = 	snop  }
0x104: {  	[tilespmem:s9], [sflag:$0x1] =	stream.indirect_vreg.gather [hbm4b:s5+s2], $0x80, v22, vm0, $0xb8;
	[tilespmem:$0x1C480] =	vst v63  }
0x105: {  	_ = 	snop  }
0x106: {  	[tilespmem:s11], [sflag:$0x1] =	stream.indirect_vreg.gather [hbm4b:s6+s2], $0x80, v22, vm0, $0xb8;
	[tilespmem:$0x1C480] =	vst v63  }
0x107: {  	v22 =	vld.msk [tilespmem:$0x1B0], $0xff;
	_ =	sdelay $0x4  }
0x108: {  	v23 =	vshll.u32 v22, $0x3  }
0x109: {  	v22 =	vand.u32 $0x7, v22;
	v23 =	vand.u32 $0xFFFFFFC0, v23  }
0x10a: {  	v22 =	vor.u32 v22, v23  }
0x10b: {  	v22 =	vperm.xlane v22, v18;
	_ =	sdelay $0x1  }
0x10c: {  	v22 =	vadd.s32 v19, v22;
	_ =	sdelay $0x4  }
0x10d: {  	[tilespmem:s12], [sflag:$0x1] =	stream.indirect_vreg.gather [hbm4b:s1+s2], $0x80, v22, vm0, $0xb8;
	[tilespmem:$0x1C480] =	vst v63  }
0x10e: {  	_ = 	snop  }
0x10f: {  	[tilespmem:s13], [sflag:$0x1] =	stream.indirect_vreg.gather [hbm4b:s4+s2], $0x80, v22, vm0, $0xb8;
	[tilespmem:$0x1C480] =	vst v63  }
0x110: {  	_ = 	snop  }
0x111: {  	[tilespmem:s14], [sflag:$0x1] =	stream.indirect_vreg.gather [hbm4b:s5+s2], $0x80, v22, vm0, $0xb8;
	[tilespmem:$0x1C480] =	vst v63  }
0x112: {  	_ = 	snop  }
0x113: {  	vm1 =	vlt.s32 v12, v21;
	[tilespmem:s15], [sflag:$0x1] =	stream.indirect_vreg.gather [hbm4b:s6+s2], $0x80, v22, vm0, $0xb8;
	[tilespmem:$0x1C480] =	vst v63  }
0x114: {  	v22 =	vsel vm1, v12, v21;
	_ =	swait.ge [sflag:s29], $0xE000  }
0x115: {  	v23 =	vshll.u32 v22, $0x3;
	[sflag:s29] =	ssyncset.done $0x0  }
0x116: {  	v62 =	vand.u32 $0x7, v22;
	s0 =	rddreg [dreg:$0x6];
	v23 =	vand.u32 $0xFFFFFFC0, v23;
	[sflag:s29] =	ssyncadd.s32 $0xFFFF2000  }
0x117: {  	v23 =	vor.u32 v62, v23;
	[hbm4b:s0+s2] =	stream.linear.scatter [tilespmem:s16], [sflag:$0x2], $0xE000, $0x38;
	[tilespmem:$0x1C480] =	vst v63  }
0x118: {  	v24 =	vperm.xlane v23, v18;
	_ =	swait.ge [sflag:s31], $0xE000  }
0x119: {  	[sflag:s31] =	ssyncset.done $0x0  }
0x11a: {  	vm1 =	vlt.s32 v13, v21;
	v24 =	vadd.s32 v19, v24;
	[sflag:s31] =	ssyncadd.s32 $0xFFFF2000  }
0x11b: {  	[tilespmem:$0x200] =	vst v22;
	v22 =	vsel vm1, v13, v21;
	vm1 =	vlt.s32 v14, v21  }
0x11c: {  	[tilespmem:$0x210] =	vst v22;
	v22 =	vsel vm1, v14, v21;
	vm1 =	vlt.s32 v15, v21  }
0x11d: {  	[tilespmem:$0x220] =	vst v22;
	v22 =	vsel vm1, v15, v21  }
0x11e: {  	[tilespmem:$0x230] =	vst v22  }
0x11f: {  	[tilespmem:s16], [sflag:$0x1] =	stream.indirect_vreg.gather [hbm4b:s1+s2], $0x80, v24, vm0, $0xb8;
	[tilespmem:$0x1C480] =	vst v63  }
0x120: {  	s0 =	simm.s32 $0xEC80;
	v22 =	vperm.xlane v23, v20  }
0x121: {  	[tilespmem:s0], [sflag:$0x1] =	stream.indirect_vreg.gather [hbm4b:s4+s2], $0x80, v24, vm0, $0xb8;
	[tilespmem:$0x1C480] =	vst v63  }
0x122: {  	v22 =	vadd.s32 v19, v22  }
0x123: {  	[tilespmem:s18], [sflag:$0x1] =	stream.indirect_vreg.gather [hbm4b:s5+s2], $0x80, v24, vm0, $0xb8;
	[tilespmem:$0x1C480] =	vst v63  }
0x124: {  	_ = 	snop  }
0x125: {  	[tilespmem:s19], [sflag:$0x1] =	stream.indirect_vreg.gather [hbm4b:s6+s2], $0x80, v24, vm0, $0xb8;
	[tilespmem:$0x1C480] =	vst v63  }
0x126: {  	_ = 	snop  }
0x127: {  	[tilespmem:s20], [sflag:$0x1] =	stream.indirect_vreg.gather [hbm4b:s1+s2], $0x80, v22, vm0, $0xb8;
	[tilespmem:$0x1C480] =	vst v63  }
0x128: {  	_ = 	snop  }
0x129: {  	[tilespmem:s21], [sflag:$0x1] =	stream.indirect_vreg.gather [hbm4b:s4+s2], $0x80, v22, vm0, $0xb8;
	[tilespmem:$0x1C480] =	vst v63  }
0x12a: {  	_ = 	snop  }
0x12b: {  	[tilespmem:s22], [sflag:$0x1] =	stream.indirect_vreg.gather [hbm4b:s5+s2], $0x80, v22, vm0, $0xb8;
	[tilespmem:$0x1C480] =	vst v63  }
0x12c: {  	_ = 	snop  }
0x12d: {  	[tilespmem:s23], [sflag:$0x1] =	stream.indirect_vreg.gather [hbm4b:s6+s2], $0x80, v22, vm0, $0xb8;
	[tilespmem:$0x1C480] =	vst v63  }
0x12e: {  	v22 =	vld [tilespmem:$0x210];
	_ =	sdelay $0x4  }
0x12f: {  	v23 =	vshll.u32 v22, $0x3  }
0x130: {  	v22 =	vand.u32 $0x7, v22;
	v23 =	vand.u32 $0xFFFFFFC0, v23  }
0x131: {  	v22 =	vor.u32 v22, v23  }
0x132: {  	v23 =	vperm.xlane v22, v18;
	_ =	sdelay $0x1  }
0x133: {  	v23 =	vadd.s32 v19, v23;
	_ =	sdelay $0x4  }
0x134: {  	[tilespmem:s24], [sflag:$0x1] =	stream.indirect_vreg.gather [hbm4b:s1+s2], $0x80, v23, vm0, $0xb8;
	[tilespmem:$0x1C480] =	vst v63  }
0x135: {  	v22 =	vperm.xlane v22, v20  }
0x136: {  	[tilespmem:s30], [sflag:$0x1] =	stream.indirect_vreg.gather [hbm4b:s4+s2], $0x80, v23, vm0, $0xb8;
	[tilespmem:$0x1C480] =	vst v63  }
0x137: {  	s0 =	simm.s32 $0x13480;
	v22 =	vadd.s32 v19, v22  }
0x138: {  	[tilespmem:s0], [sflag:$0x1] =	stream.indirect_vreg.gather [hbm4b:s5+s2], $0x80, v23, vm0, $0xb8;
	[tilespmem:$0x1C480] =	vst v63  }
0x139: {  	s0 =	simm.s32 $0x13C80  }
0x13a: {  	[tilespmem:s0], [sflag:$0x1] =	stream.indirect_vreg.gather [hbm4b:s6+s2], $0x80, v23, vm0, $0xb8;
	[tilespmem:$0x1C480] =	vst v63  }
0x13b: {  	s0 =	simm.s32 $0x14480  }
0x13c: {  	[tilespmem:s0], [sflag:$0x1] =	stream.indirect_vreg.gather [hbm4b:s1+s2], $0x80, v22, vm0, $0xb8;
	[tilespmem:$0x1C480] =	vst v63  }
0x13d: {  	s0 =	simm.s32 $0x14C80  }
0x13e: {  	[tilespmem:s0], [sflag:$0x1] =	stream.indirect_vreg.gather [hbm4b:s4+s2], $0x80, v22, vm0, $0xb8;
	[tilespmem:$0x1C480] =	vst v63  }
0x13f: {  	s0 =	simm.s32 $0x15480  }
0x140: {  	[tilespmem:s0], [sflag:$0x1] =	stream.indirect_vreg.gather [hbm4b:s5+s2], $0x80, v22, vm0, $0xb8;
	[tilespmem:$0x1C480] =	vst v63  }
0x141: {  	s0 =	simm.s32 $0x15C80  }
0x142: {  	[tilespmem:s0], [sflag:$0x1] =	stream.indirect_vreg.gather [hbm4b:s6+s2], $0x80, v22, vm0, $0xb8;
	[tilespmem:$0x1C480] =	vst v63  }
0x143: {  	v22 =	vld [tilespmem:$0x220];
	_ =	sdelay $0x4  }
0x144: {  	v23 =	vshll.u32 v22, $0x3  }
0x145: {  	v22 =	vand.u32 $0x7, v22;
	v23 =	vand.u32 $0xFFFFFFC0, v23  }
0x146: {  	v22 =	vor.u32 v22, v23  }
0x147: {  	v23 =	vperm.xlane v22, v18;
	_ =	sdelay $0x1  }
0x148: {  	v23 =	vadd.s32 v19, v23;
	_ =	sdelay $0x3  }
0x149: {  	s0 =	simm.s32 $0x16480  }
0x14a: {  	[tilespmem:s0], [sflag:$0x1] =	stream.indirect_vreg.gather [hbm4b:s1+s2], $0x80, v23, vm0, $0xb8;
	[tilespmem:$0x1C480] =	vst v63  }
0x14b: {  	v22 =	vperm.xlane v22, v20;
	s0 =	simm.s32 $0x16C80  }
0x14c: {  	[tilespmem:s0], [sflag:$0x1] =	stream.indirect_vreg.gather [hbm4b:s4+s2], $0x80, v23, vm0, $0xb8;
	[tilespmem:$0x1C480] =	vst v63  }
0x14d: {  	v22 =	vadd.s32 v19, v22;
	s0 =	simm.s32 $0x17480  }
0x14e: {  	[tilespmem:s0], [sflag:$0x1] =	stream.indirect_vreg.gather [hbm4b:s5+s2], $0x80, v23, vm0, $0xb8;
	[tilespmem:$0x1C480] =	vst v63  }
0x14f: {  	s0 =	simm.s32 $0x17C80  }
0x150: {  	[tilespmem:s0], [sflag:$0x1] =	stream.indirect_vreg.gather [hbm4b:s6+s2], $0x80, v23, vm0, $0xb8;
	[tilespmem:$0x1C480] =	vst v63  }
0x151: {  	s0 =	simm.s32 $0x18480  }
0x152: {  	[tilespmem:s0], [sflag:$0x1] =	stream.indirect_vreg.gather [hbm4b:s1+s2], $0x80, v22, vm0, $0xb8;
	[tilespmem:$0x1C480] =	vst v63  }
0x153: {  	s0 =	simm.s32 $0x18C80  }
0x154: {  	[tilespmem:s0], [sflag:$0x1] =	stream.indirect_vreg.gather [hbm4b:s4+s2], $0x80, v22, vm0, $0xb8;
	[tilespmem:$0x1C480] =	vst v63  }
0x155: {  	s0 =	simm.s32 $0x19480  }
0x156: {  	[tilespmem:s0], [sflag:$0x1] =	stream.indirect_vreg.gather [hbm4b:s5+s2], $0x80, v22, vm0, $0xb8;
	[tilespmem:$0x1C480] =	vst v63  }
0x157: {  	s0 =	simm.s32 $0x19C80  }
0x158: {  	[tilespmem:s0], [sflag:$0x1] =	stream.indirect_vreg.gather [hbm4b:s6+s2], $0x80, v22, vm0, $0xb8;
	[tilespmem:$0x1C480] =	vst v63  }
0x159: {  	v22 =	vld.msk [tilespmem:$0x230], $0xff;
	_ =	sdelay $0x4  }
0x15a: {  	v23 =	vshll.u32 v22, $0x3  }
0x15b: {  	v22 =	vand.u32 $0x7, v22;
	v23 =	vand.u32 $0xFFFFFFC0, v23  }
0x15c: {  	v22 =	vor.u32 v22, v23  }
0x15d: {  	v22 =	vperm.xlane v22, v18;
	_ =	sdelay $0x1  }
0x15e: {  	v22 =	vadd.s32 v19, v22;
	_ =	sdelay $0x3  }
0x15f: {  	s0 =	simm.s32 $0x1A480  }
0x160: {  	[tilespmem:s0], [sflag:$0x1] =	stream.indirect_vreg.gather [hbm4b:s1+s2], $0x80, v22, vm0, $0xb8;
	[tilespmem:$0x1C480] =	vst v63  }
0x161: {  	s0 =	simm.s32 $0x1AC80  }
0x162: {  	[tilespmem:s0], [sflag:$0x1] =	stream.indirect_vreg.gather [hbm4b:s4+s2], $0x80, v22, vm0, $0xb8;
	[tilespmem:$0x1C480] =	vst v63  }
0x163: {  	s0 =	simm.s32 $0x1B480  }
0x164: {  	[tilespmem:s0], [sflag:$0x1] =	stream.indirect_vreg.gather [hbm4b:s5+s2], $0x80, v22, vm0, $0xb8;
	[tilespmem:$0x1C480] =	vst v63  }
0x165: {  	vm1 =	vlt.s32 v16, v21;
	s0 =	simm.s32 $0x1BC80  }
0x166: {  	[tilespmem:s0], [sflag:$0x1] =	stream.indirect_vreg.gather [hbm4b:s6+s2], $0x80, v22, vm0, $0xb8;
	v22 =	vsel vm1, v16, v21;
	[tilespmem:$0x1C480] =	vst v63  }
0x167: {  	v23 =	vshll.u32 v22, $0x3  }
0x168: {  	_ =	swait.ge [sflag:s29], $0xE000;
	v63 =	vand.u32 $0x7, v22;
	v23 =	vand.u32 $0xFFFFFFC0, v23  }
0x169: {  	[sflag:s29] =	ssyncset.done $0x0;
	v23 =	vor.u32 v63, v23  }
0x16a: {  	s0 =	rddreg [dreg:$0x7];
	[sflag:s29] =	ssyncadd.s32 $0xFFFF2000;
	v24 =	vperm.xlane v23, v18  }
0x16b: {  	[hbm4b:s0+s2] =	stream.linear.scatter [tilespmem:s3], [sflag:$0x2], $0xE000, $0x38;
	[tilespmem:$0x1C480] =	vst v63  }
0x16c: {  	_ =	swait.ge [sflag:s31], $0xE000;
	v24 =	vadd.s32 v19, v24  }
0x16d: {  	[sflag:s31] =	ssyncset.done $0x0  }
0x16e: {  	vm1 =	vlt.s32 v17, v21;
	[sflag:s31] =	ssyncadd.s32 $0xFFFF2000  }
0x16f: {  	v21 =	vsel vm1, v17, v21;
	[tilespmem:$0x280] =	vst v22  }
0x170: {  	[tilespmem:$0x290] =	vst v21  }
0x171: {  	[tilespmem:s3], [sflag:$0x1] =	stream.indirect_vreg.gather [hbm4b:s1+s2], $0x80, v24, vm0, $0xb8;
	[tilespmem:$0x1C480] =	vst v63  }
0x172: {  	s0 =	simm.s32 $0xC80;
	v21 =	vperm.xlane v23, v20  }
0x173: {  	[tilespmem:s0], [sflag:$0x1] =	stream.indirect_vreg.gather [hbm4b:s4+s2], $0x80, v24, vm0, $0xb8;
	[tilespmem:$0x1C480] =	vst v63  }
0x174: {  	v21 =	vadd.s32 v19, v21;
	s0 =	simm.s32 $0x1480  }
0x175: {  	[tilespmem:s0], [sflag:$0x1] =	stream.indirect_vreg.gather [hbm4b:s5+s2], $0x80, v24, vm0, $0xb8;
	[tilespmem:$0x1C480] =	vst v63  }
0x176: {  	s0 =	simm.s32 $0x1C80  }
0x177: {  	[tilespmem:s0], [sflag:$0x1] =	stream.indirect_vreg.gather [hbm4b:s6+s2], $0x80, v24, vm0, $0xb8;
	[tilespmem:$0x1C480] =	vst v63  }
0x178: {  	s0 =	simm.s32 $0x2480  }
0x179: {  	[tilespmem:s0], [sflag:$0x1] =	stream.indirect_vreg.gather [hbm4b:s1+s2], $0x80, v21, vm0, $0xb8;
	[tilespmem:$0x1C480] =	vst v63  }
0x17a: {  	s0 =	simm.s32 $0x2C80  }
0x17b: {  	[tilespmem:s0], [sflag:$0x1] =	stream.indirect_vreg.gather [hbm4b:s4+s2], $0x80, v21, vm0, $0xb8;
	[tilespmem:$0x1C480] =	vst v63  }
0x17c: {  	s0 =	simm.s32 $0x3480  }
0x17d: {  	[tilespmem:s0], [sflag:$0x1] =	stream.indirect_vreg.gather [hbm4b:s5+s2], $0x80, v21, vm0, $0xb8;
	[tilespmem:$0x1C480] =	vst v63  }
0x17e: {  	s0 =	simm.s32 $0x3C80  }
0x17f: {  	[tilespmem:s0], [sflag:$0x1] =	stream.indirect_vreg.gather [hbm4b:s6+s2], $0x80, v21, vm0, $0xb8;
	[tilespmem:$0x1C480] =	vst v63  }
0x180: {  	v21 =	vld [tilespmem:$0x290];
	_ =	sdelay $0x4  }
0x181: {  	v22 =	vshll.u32 v21, $0x3  }
0x182: {  	v21 =	vand.u32 $0x7, v21;
	v22 =	vand.u32 $0xFFFFFFC0, v22  }
0x183: {  	v21 =	vor.u32 v21, v22  }
0x184: {  	v22 =	vperm.xlane v21, v18;
	_ =	sdelay $0x1  }
0x185: {  	v22 =	vadd.s32 v19, v22;
	_ =	sdelay $0x3  }
0x186: {  	s0 =	simm.s32 $0x4480  }
0x187: {  	[tilespmem:s0], [sflag:$0x1] =	stream.indirect_vreg.gather [hbm4b:s1+s2], $0x80, v22, vm0, $0xb8;
	[tilespmem:$0x1C480] =	vst v63  }
0x188: {  	v21 =	vperm.xlane v21, v20;
	s0 =	simm.s32 $0x4C80  }
0x189: {  	[tilespmem:s0], [sflag:$0x1] =	stream.indirect_vreg.gather [hbm4b:s4+s2], $0x80, v22, vm0, $0xb8;
	[tilespmem:$0x1C480] =	vst v63  }
0x18a: {  	v21 =	vadd.s32 v19, v21;
	s0 =	simm.s32 $0x5480  }
0x18b: {  	[tilespmem:s0], [sflag:$0x1] =	stream.indirect_vreg.gather [hbm4b:s5+s2], $0x80, v22, vm0, $0xb8;
	[tilespmem:$0x1C480] =	vst v63  }
0x18c: {  	s0 =	simm.s32 $0x5C80  }
0x18d: {  	[tilespmem:s0], [sflag:$0x1] =	stream.indirect_vreg.gather [hbm4b:s6+s2], $0x80, v22, vm0, $0xb8;
	[tilespmem:$0x1C480] =	vst v63  }
0x18e: {  	s0 =	simm.s32 $0x6480  }
0x18f: {  	[tilespmem:s0], [sflag:$0x1] =	stream.indirect_vreg.gather [hbm4b:s1+s2], $0x80, v21, vm0, $0xb8;
	[tilespmem:$0x1C480] =	vst v63  }
0x190: {  	s0 =	simm.s32 $0x6C80  }
0x191: {  	[tilespmem:s0], [sflag:$0x1] =	stream.indirect_vreg.gather [hbm4b:s4+s2], $0x80, v21, vm0, $0xb8;
	[tilespmem:$0x1C480] =	vst v63  }
0x192: {  	s0 =	simm.s32 $0x7480  }
0x193: {  	[tilespmem:s0], [sflag:$0x1] =	stream.indirect_vreg.gather [hbm4b:s5+s2], $0x80, v21, vm0, $0xb8;
	[tilespmem:$0x1C480] =	vst v63  }
0x194: {  	s0 =	simm.s32 $0x7C80  }
0x195: {  	[tilespmem:s0], [sflag:$0x1] =	stream.indirect_vreg.gather [hbm4b:s6+s2], $0x80, v21, vm0, $0xb8;
	[tilespmem:$0x1C480] =	vst v63  }
0x196: {  	_ =	swait.ge [sflag:s29], $0xE000  }
0x197: {  	[sflag:s29] =	ssyncset.done $0x0  }
0x198: {  	s0 =	rddreg [dreg:$0x8];
	[sflag:s29] =	ssyncadd.s32 $0xFFFF2000  }
0x199: {  	[hbm4b:s0+s2] =	stream.linear.scatter [tilespmem:s16], [sflag:$0x2], $0xE000, $0x38;
	[tilespmem:$0x1C480] =	vst v63  }
0x19a: {  	_ =	swait.ge [sflag:s29], $0x8000  }
0x19b: {  	[sflag:s29] =	ssyncset.done $0x0  }
0x19c: {  	s0 =	rddreg [dreg:$0x9];
	[sflag:s29] =	ssyncadd.s32 $0xFFFF8000  }
0x19d: {  	[hbm4b:s0+s2] =	stream.linear.scatter [tilespmem:s3], [sflag:$0x2], $0x8000, $0x38;
	[tilespmem:$0x1C480] =	vst v63  }
0x19e: {  	p0 =	sne.s32 s7, $0x1;
	_ =	swait.ge [sflag:s31], $0xE000  }
.Ltmp0:
0x19f: {  	[sflag:s31] =	ssyncset.done $0x0;
	(pc) =	sbr.rel @p0 .LBB2_1-.Ltmp0, $4  }
0x1a0: {  	[sflag:s31] =	ssyncadd.s32 $0xFFFF2000  }
0x1a1: {  	_ =	swait.ge [sflag:s31], $0x8000  }
0x1a2: {  	[sflag:s31] =	ssyncset.done $0x0  }
0x1a3: {  	s7 =	sadd.s32 $0xFFFFFFFF, s7;
	[sflag:s31] =	ssyncadd.s32 $0xFFFF8000  }
0x1a4: {  	_ =	sfence.sel $0x180000  }
0x1a5: {  	[bflag:$0x0] =	sbarrier.arrive $0xFFFF  }
0x1a6: {  	_ =	strace $0x90000047  }
0x1a7: {  	s0 =	stileid.u32;
	[bflag:$0x2] =	sbarrier.arrive $0xFFFF  }
0x1a8: {  	p0 =	sne.s32 s0, $0x0;
	s0 =	rddreg [dreg:$0x3]  }
0x1a9: {  	s0 =	sadd.s32 @!p0 $0x100000, s0  }
0x1aa: {  	[sflag:s0] =	ssyncadd.tile.s32 @!p0 $0x1;
	_ =	shalt  }
.Lfunc_end2:
_tile_overlayer_lowered:
.L_overlay_start_2:
0x1ab: {  	(tag) =	ssettag $0x2  }
0x1ac: {  	s0 =	rddreg [dreg:$0x0];
	s2 =	stileid.u32  }
0x1ad: {  	s1 =	rddreg [dreg:$0x1];
	p0 =	sne.s32 s2, $0x0  }
0x1ae: {  	s3 =	rddreg [dreg:$0x2];
	[bflag:$0x3] =	sbarrier.arrive $0xFFFF;
	s2 =	simm.s32 @!p0 $0x1C03  }
0x1af: {  	[timem:s3], [sflag:s2] =	dma.local @!p0 [hbm:s0], s1  }
0x1b0: {  	s0 =	simm.s32 @!p0 $0x3  }
0x1b1: {  	_ =	swait.ge @!p0 [sflag:s0], s1  }
0x1b2: {  	s1 =	ssub.s32 @!p0 $0x0, s1;
	[sflag:s0] =	ssyncset.done @!p0 $0x0  }
0x1b3: {  	[sflag:s0] =	ssyncadd.s32 @!p0 s1  }
0x1b4: {  	[bflag:$0x3] =	sbarrier.arrive $0xFFFF  }
0x1b5: {  	_ =	shalt  }

</sc_bundles>
